<compile_context>
chip_gen: v7x
topology: tpu7x:2x2x1
jax: 0.10.2.dev20260603
libtpu: 0.0.44.dev20260713+nightly
codegen_flags: <defaults>
</compile_context>

<pallas_src>
import functools

import jax
import jax.numpy as jnp
from jax import lax
from jax.experimental import pallas as pl
from jax.experimental.pallas import tpu as pltpu
from jax.experimental.pallas import tpu_sc as plsc

NC = 2
NS = 16
NW = NC * NS
CHUNK = 128
NBUF = 4
BLK = 1024

_SC_PARAMS = pltpu.CompilerParams(use_tc_tiling_on_sc=False)
_MESH = dict(core_axis_name="c", subcore_axis_name="s")


def _sc_degree(dst2d, zeros16, ones16, n_pad, nchunks):
    rps = n_pad // NS
    nw = nchunks // NC

    @functools.partial(
        pl.kernel,
        out_type=jax.ShapeDtypeStruct((NC, n_pad, 16), jnp.float32),
        mesh=plsc.VectorSubcoreMesh(**_MESH),
        scratch_types=[
            pltpu.VMEM((nchunks // NC, CHUNK), jnp.int32),
            pltpu.VMEM((CHUNK, 16), jnp.float32),
            pltpu.VMEM_SHARED((n_pad, 16), jnp.float32),
            pltpu.SemaphoreType.DMA,
        ],
        compiler_params=_SC_PARAMS,
    )
    def k(dst_hbm, zeros_hbm, ones_hbm, out_hbm, idx_d, ones_v, acc_sh, sem):
        c = lax.axis_index("c")
        s = lax.axis_index("s")
        wid = c * NS + s
        row0 = s * rps
        pltpu.sync_copy(zeros_hbm.at[pl.ds(row0, rps)], acc_sh.at[pl.ds(row0, rps)])
        pltpu.sync_copy(ones_hbm, ones_v)
        pltpu.sync_copy(dst_hbm.at[pl.ds(wid * nw, nw)], idx_d)
        plsc.subcore_barrier()

        def fire(j, carry):
            pltpu.async_copy(ones_v, acc_sh.at[idx_d.at[j]], sem, add=True)
            return carry

        def drain(j, carry):
            pltpu.make_async_copy(ones_v, acc_sh.at[idx_d.at[j]], sem).wait()
            return carry

        lax.fori_loop(0, nw, fire, 0)
        lax.fori_loop(0, nw, drain, 0)
        plsc.subcore_barrier()
        pltpu.sync_copy(acc_sh.at[pl.ds(row0, rps)], out_hbm.at[c, pl.ds(row0, rps)])

    return k(dst2d, zeros16, ones16)


def _sc_scatter(yflat, srcstk, dst2d, zeros, n_pad, d2, nchunks):
    rps = n_pad // NS
    nsteps = nchunks // NBUF

    @functools.partial(
        pl.kernel,
        out_type=jax.ShapeDtypeStruct((NC, n_pad, d2), jnp.float32),
        mesh=plsc.VectorSubcoreMesh(**_MESH),
        scratch_types=[
            pltpu.VMEM((nchunks, CHUNK), jnp.int32),
            pltpu.VMEM((nchunks, CHUNK), jnp.int32),
            [pltpu.VMEM((CHUNK, d2), jnp.float32) for _ in range(NBUF)],
            pltpu.VMEM_SHARED((n_pad, d2), jnp.float32),
            [pltpu.SemaphoreType.DMA for _ in range(NBUF)],
            [pltpu.SemaphoreType.DMA for _ in range(NBUF)],
        ],
        compiler_params=_SC_PARAMS,
    )
    def k(y_hbm, src_hbm, dst_hbm, zeros_hbm, out_hbm, idx_s, idx_d, rows, acc_sh, gsem, ssem):
        c = lax.axis_index("c")
        s = lax.axis_index("s")
        row0 = s * rps
        pltpu.sync_copy(y_hbm.at[pl.ds(c * n_pad + row0, rps)], acc_sh.at[pl.ds(row0, rps)])
        pltpu.sync_copy(src_hbm.at[c, pl.ds(s * nchunks, nchunks)], idx_s)
        pltpu.sync_copy(dst_hbm.at[pl.ds(s * nchunks, nchunks)], idx_d)
        plsc.subcore_barrier()

        def gstart(j, b):
            pltpu.async_copy(acc_sh.at[idx_s.at[j]], rows[b], gsem[b])

        def gwait(j, b):
            pltpu.make_async_copy(acc_sh.at[idx_s.at[j]], rows[b], gsem[b]).wait()

        def sstart(j, b):
            pltpu.async_copy(rows[b], acc_sh.at[idx_d.at[j]], ssem[b], add=True)

        def swait(j, b):
            pltpu.make_async_copy(rows[b], acc_sh.at[idx_d.at[j]], ssem[b]).wait()

        for b in range(NBUF):
            gstart(b, b)

        def body(jj, carry):
            j0 = jj * NBUF
            for b in range(NBUF):
                gwait(j0 + b, b)
                gstart(j0 + NBUF + b, b)
            return carry

        lax.fori_loop(0, nsteps - 1, body, 0)
        j0 = (nsteps - 1) * NBUF
        for b in range(NBUF):
            gwait(j0 + b, b)
        plsc.subcore_barrier()
        pltpu.sync_copy(acc_sh.at[pl.ds(row0, rps)], out_hbm.at[c, pl.ds(row0, rps)])

    return k(yflat, srcstk, dst2d, zeros)


def _tc_matmul(xp, w1, n_pad):
    d_in, d_hid = w1.shape

    def body(x_ref, w_ref, o_ref):
        o_ref[...] = jnp.dot(x_ref[...], w_ref[...], preferred_element_type=jnp.float32)

    return pl.pallas_call(
        body,
        grid=(n_pad // BLK,),
        in_specs=[
            pl.BlockSpec((BLK, d_in), lambda i: (i, 0)),
            pl.BlockSpec((d_in, d_hid), lambda i: (0, 0)),
        ],
        out_specs=pl.BlockSpec((BLK, d_hid), lambda i: (i, 0)),
        out_shape=jax.ShapeDtypeStruct((n_pad, d_hid), jnp.float32),
    )(xp, w1)


def _tc_scale(xw1, deg2, n_pad):
    d_hid = xw1.shape[1]
    d2 = d_hid // 2

    def body(xw_ref, d_ref, dinv_ref, y_ref):
        deg = d_ref[0] + d_ref[1] + 1.0
        dinv = lax.rsqrt(deg)
        dinv_ref[...] = dinv
        y = dinv[:, 0:1] * xw_ref[...]
        y_ref[0] = y[:, :d2]
        y_ref[1] = y[:, d2:]

    return pl.pallas_call(
        body,
        grid=(n_pad // BLK,),
        in_specs=[
            pl.BlockSpec((BLK, d_hid), lambda i: (i, 0)),
            pl.BlockSpec((NC, BLK, 16), lambda i: (0, i, 0)),
        ],
        out_specs=[
            pl.BlockSpec((BLK, 16), lambda i: (i, 0)),
            pl.BlockSpec((NC, BLK, d2), lambda i: (0, i, 0)),
        ],
        out_shape=[
            jax.ShapeDtypeStruct((n_pad, 16), jnp.float32),
            jax.ShapeDtypeStruct((NC, n_pad, d2), jnp.float32),
        ],
    )(xw1, deg2)


def _tc_layer2(y1s, s1, dinv16, b1, w2, n_pad):
    d_hid, d_out = w2.shape
    do2 = d_out // 2
    dh2 = d_hid // 2

    def body(y_ref, s_ref, dinv_ref, b_ref, w_ref, y2_ref):
        dinv = dinv_ref[:, 0:1]
        agg = jnp.concatenate([s_ref[0] + y_ref[0], s_ref[1] + y_ref[1]], axis=1)
        h1 = jnp.maximum(dinv * agg + b_ref[...], 0.0)
        y2 = dinv * jnp.dot(h1, w_ref[...], preferred_element_type=jnp.float32)
        y2_ref[0] = y2[:, :do2]
        y2_ref[1] = y2[:, do2:]

    return pl.pallas_call(
        body,
        grid=(n_pad // BLK,),
        in_specs=[
            pl.BlockSpec((NC, BLK, dh2), lambda i: (0, i, 0)),
            pl.BlockSpec((NC, BLK, dh2), lambda i: (0, i, 0)),
            pl.BlockSpec((BLK, 16), lambda i: (i, 0)),
            pl.BlockSpec((1, d_hid), lambda i: (0, 0)),
            pl.BlockSpec((d_hid, d_out), lambda i: (0, 0)),
        ],
        out_specs=pl.BlockSpec((NC, BLK, do2), lambda i: (0, i, 0)),
        out_shape=jax.ShapeDtypeStruct((NC, n_pad, do2), jnp.float32),
    )(y1s, s1, dinv16, b1, w2)


def _tc_layer3(y2s, s2, dinv16, b2, wlt, bl, n_pad):
    d_out = wlt.shape[0]
    do2 = d_out // 2

    def body(y_ref, s_ref, dinv_ref, b_ref, w_ref, bl_ref, h2_ref, out_ref):
        dinv = dinv_ref[:, 0:1]
        agg = jnp.concatenate([s_ref[0] + y_ref[0], s_ref[1] + y_ref[1]], axis=1)
        h2 = jnp.maximum(dinv * agg + b_ref[...], 0.0)
        h2_ref[...] = h2
        out_ref[...] = (
            jnp.dot(h2, w_ref[...], preferred_element_type=jnp.float32) + bl_ref[...]
        )

    return pl.pallas_call(
        body,
        grid=(n_pad // BLK,),
        in_specs=[
            pl.BlockSpec((NC, BLK, do2), lambda i: (0, i, 0)),
            pl.BlockSpec((NC, BLK, do2), lambda i: (0, i, 0)),
            pl.BlockSpec((BLK, 16), lambda i: (i, 0)),
            pl.BlockSpec((1, d_out), lambda i: (0, 0)),
            pl.BlockSpec((d_out, d_out), lambda i: (0, 0)),
            pl.BlockSpec((1, d_out), lambda i: (0, 0)),
        ],
        out_specs=[
            pl.BlockSpec((BLK, d_out), lambda i: (i, 0)),
            pl.BlockSpec((BLK, d_out), lambda i: (i, 0)),
        ],
        out_shape=[
            jax.ShapeDtypeStruct((n_pad, d_out), jnp.float32),
            jax.ShapeDtypeStruct((n_pad, d_out), jnp.float32),
        ],
    )(y2s, s2, dinv16, b2, wlt, bl)


def kernel(x, edge_index, W1, b1, W2, b2, Wl, bl):
    n, d_in = x.shape
    e = edge_index.shape[1]
    d_hid = W1.shape[1]
    d_out = W2.shape[1]

    n_pad = -(-n // BLK) * BLK
    xp = jnp.pad(x, ((0, n_pad - n), (0, 0)))

    quant = NS * CHUNK * NBUF
    ep = -(-e // quant) * quant
    nchunks = ep // (NS * CHUNK)
    src = edge_index[0]
    dst = edge_index[1]
    if ep != e:
        fill = jnp.full((ep - e,), n_pad - 1, dtype=edge_index.dtype)
        src = jnp.concatenate([src, fill])
        dst = jnp.concatenate([dst, fill])
    src2d = src.reshape(NS * nchunks, CHUNK)
    dst2d = dst.reshape(NS * nchunks, CHUNK)
    srcstk = jnp.stack([src2d, src2d + n_pad])

    zeros16 = jnp.zeros((n_pad, 16), jnp.float32)
    ones16 = jnp.ones((CHUNK, 16), jnp.float32)
    zeros_h = jnp.zeros((n_pad, d_hid // 2), jnp.float32)
    zeros_o = jnp.zeros((n_pad, d_out // 2), jnp.float32)

    deg2 = _sc_degree(dst2d, zeros16, ones16, n_pad, nchunks)
    xw1 = _tc_matmul(xp, W1, n_pad)
    dinv16, y1s = _tc_scale(xw1, deg2, n_pad)
    s1 = _sc_scatter(
        y1s.reshape(NC * n_pad, d_hid // 2), jnp.stack([src2d, src2d]), dst2d, zeros_h, n_pad, d_hid // 2, nchunks
    )
    y2s = _tc_layer2(y1s, s1, dinv16, b1.reshape(1, d_hid), W2, n_pad)
    s2 = _sc_scatter(
        y2s.reshape(NC * n_pad, d_out // 2), srcstk, dst2d, zeros_o, n_pad, d_out // 2, nchunks
    )
    h2p, outp = _tc_layer3(
        y2s, s2, dinv16, b2.reshape(1, d_out), Wl.T, bl.reshape(1, d_out), n_pad
    )
    return h2p[:n], outp[:n]

# --- scband reference (transcript-rebuilt; emitter-appended) ---
"""Pipeline reference for scband-my-gcn2-24180665876563 (READ-ONLY COPY).

The authoritative reference and input builder live on the scoring server;
editing this copy changes nothing except your own understanding.
"""

import jax, jax.numpy as jnp
import numpy as np

N_NODES = 10000
N_EDGES = 320000
D_IN = 128
D_HID = 128
D_OUT = 64


def gcn_conv(x, edge_index, W, b):
    # Faithful PyG GCNConv: x' = D^{-1/2} (A + I) D^{-1/2} (X W) + b
    n = x.shape[0]
    xw = x @ W
    loops = jnp.arange(n, dtype=edge_index.dtype)
    src = jnp.concatenate([edge_index[0], loops])
    dst = jnp.concatenate([edge_index[1], loops])
    deg = jax.ops.segment_sum(jnp.ones_like(dst, dtype=xw.dtype), dst, num_segments=n)
    dinv = jnp.where(deg > 0, jax.lax.rsqrt(deg), 0.0)
    norm = dinv[src] * dinv[dst]
    msgs = norm[:, None] * jnp.take(xw, src, axis=0)
    agg = jax.ops.segment_sum(msgs, dst, num_segments=n)
    return agg + b


def setup_inputs(seed: int = 0) -> dict:
    key = jax.random.key(seed)
    ks = jax.random.split(key, 8)
    x = jax.random.normal(ks[0], (N_NODES, D_IN), dtype=jnp.float32)
    edge_index = jax.random.randint(ks[1], (2, N_EDGES), 0, N_NODES, dtype=jnp.int32)
    W1 = jax.random.normal(ks[2], (D_IN, D_HID), dtype=jnp.float32) * (1.0 / np.sqrt(D_IN))
    b1 = jnp.zeros((D_HID,), dtype=jnp.float32)
    W2 = jax.random.normal(ks[3], (D_HID, D_OUT), dtype=jnp.float32) * (1.0 / np.sqrt(D_HID))
    b2 = jnp.zeros((D_OUT,), dtype=jnp.float32)
    Wl = jax.random.normal(ks[4], (D_OUT, D_OUT), dtype=jnp.float32) * (1.0 / np.sqrt(D_OUT))
    bl = jnp.zeros((D_OUT,), dtype=jnp.float32)
    return {"x": x, "edge_index": edge_index, "W1": W1, "b1": b1, "W2": W2, "b2": b2, "Wl": Wl, "bl": bl}


def reference(x, edge_index, W1, b1, W2, b2, Wl, bl):
    h1 = jax.nn.relu(gcn_conv(x, edge_index, W1, b1))
    h2 = jax.nn.relu(gcn_conv(h1, edge_index, W2, b2))
    out = h2 @ Wl.T + bl
    return (h2, out)

if __name__ == "__main__":
    import jax
    _d = setup_inputs()
    print(jax.jit(kernel)(*tuple(_d.values())))

</pallas_src>

<mosaic_0001>
#map = affine_map<(d0, d1) -> (0, 0)>
#map1 = affine_map<(d0, d1) -> (0, 0, 0)>
module attributes {stable_mosaic.version = 14 : i64} {
  func.func @k(%arg0: i32, %arg1: i32, %arg2: memref<20480x64xf32, #tpu.memory_space<hbm>>, %arg3: memref<2x2560x128xi32, #tpu.memory_space<hbm>>, %arg4: memref<2560x128xi32, #tpu.memory_space<hbm>>, %arg5: memref<10240x64xf32, #tpu.memory_space<hbm>>, %arg6: memref<2x10240x64xf32, #tpu.memory_space<hbm>>, %arg7: memref<160x128xi32, #tpu.memory_space<vmem>>, %arg8: memref<160x128xi32, #tpu.memory_space<vmem>>, %arg9: memref<128x64xf32, #tpu.memory_space<vmem>>, %arg10: memref<128x64xf32, #tpu.memory_space<vmem>>, %arg11: memref<128x64xf32, #tpu.memory_space<vmem>>, %arg12: memref<128x64xf32, #tpu.memory_space<vmem>>, %arg13: memref<10240x64xf32, #tpu.memory_space<vmem_shared>>, %arg14: memref<!tpu.dma_semaphore, #tpu.memory_space<semaphore_mem>>, %arg15: memref<!tpu.dma_semaphore, #tpu.memory_space<semaphore_mem>>, %arg16: memref<!tpu.dma_semaphore, #tpu.memory_space<semaphore_mem>>, %arg17: memref<!tpu.dma_semaphore, #tpu.memory_space<semaphore_mem>>, %arg18: memref<!tpu.dma_semaphore, #tpu.memory_space<semaphore_mem>>, %arg19: memref<!tpu.dma_semaphore, #tpu.memory_space<semaphore_mem>>, %arg20: memref<!tpu.dma_semaphore, #tpu.memory_space<semaphore_mem>>, %arg21: memref<!tpu.dma_semaphore, #tpu.memory_space<semaphore_mem>>) attributes {dimension_semantics = [#tpu.dimension_semantics<core_parallel>, #tpu.dimension_semantics<subcore_parallel>], iteration_bounds = array<i64: 2, 16>, scalar_prefetch = 0 : i64, scratch_operands = 15 : i64, tpu.core_type = #tpu.core_type<sc_vector_subcore>, window_params = [{transform_indices = #map}, {transform_indices = #map1}, {transform_indices = #map}, {transform_indices = #map}, {transform_indices = #map1}]} {
    %mul3A = arith.constant 640 : i32
    %mul3A_0 = arith.muli %arg1, %mul3A : i32
    %mul3A_1 = arith.constant 10240 : i32
    %mul3A_2 = arith.muli %arg0, %mul3A_1 : i32
    %add3A = arith.addi %mul3A_2, %mul3A_0 : i32
    "tpu.region"() ({
      %run_scoped3A = tpu.sem_alloc : memref<!tpu.dma_semaphore, #tpu.memory_space<semaphore_mem>>
      %dma_start3A_67 = arith.constant 0 : i32
      %dma_start3A_68 = tpu.memref_slice %arg13[%mul3A_0, %dma_start3A_67] : memref<10240x64xf32, #tpu.memory_space<vmem_shared>> -> memref<640x64xf32, #tpu.memory_space<vmem_shared>>
      %dma_start3A_69 = arith.constant 0 : i32
      %dma_start3A_70 = tpu.memref_slice %arg2[%add3A, %dma_start3A_69] : memref<20480x64xf32, #tpu.memory_space<hbm>> -> memref<640x64xf32, #tpu.memory_space<hbm>>
      tpu.enqueue_dma source(%dma_start3A_70 : memref<640x64xf32, #tpu.memory_space<hbm>>) target(%dma_start3A_68 : memref<640x64xf32, #tpu.memory_space<vmem_shared>>) target_semaphore(%run_scoped3A : memref<!tpu.dma_semaphore, #tpu.memory_space<semaphore_mem>>)
      %dma_wait3A_71 = arith.constant 0 : i32
      %dma_wait3A_72 = tpu.memref_slice %arg13[%mul3A_0, %dma_wait3A_71] : memref<10240x64xf32, #tpu.memory_space<vmem_shared>> -> memref<640x64xf32, #tpu.memory_space<vmem_shared>>
      %dma_wait3A_73 = arith.constant 0 : i32
      %dma_wait3A_74 = tpu.memref_slice %arg2[%add3A, %dma_wait3A_73] : memref<20480x64xf32, #tpu.memory_space<hbm>> -> memref<640x64xf32, #tpu.memory_space<hbm>>
      tpu.wait_dma2 semaphore(%run_scoped3A : memref<!tpu.dma_semaphore, #tpu.memory_space<semaphore_mem>>) src(%dma_wait3A_74 : memref<640x64xf32, #tpu.memory_space<hbm>>) dst(%dma_wait3A_72 : memref<640x64xf32, #tpu.memory_space<vmem_shared>>)
      tpu.yield
    }) : () -> ()
    %mul3A_3 = arith.constant 160 : i32
    %mul3A_4 = arith.muli %arg1, %mul3A_3 : i32
    "tpu.region"() ({
      %run_scoped3A = tpu.sem_alloc : memref<!tpu.dma_semaphore, #tpu.memory_space<semaphore_mem>>
      %dma_start3A_67 = arith.constant 0 : i32
      %dma_start3A_68 = tpu.memref_slice %arg3[%arg0, %mul3A_4, %dma_start3A_67] : memref<2x2560x128xi32, #tpu.memory_space<hbm>> -> memref<1x160x128xi32, #tpu.memory_space<hbm>>
      %dma_start3A_69 = tpu.memref_squeeze %dma_start3A_68 : memref<1x160x128xi32, #tpu.memory_space<hbm>> -> memref<160x128xi32, #tpu.memory_space<hbm>>
      %dma_start3A_70 = arith.constant 0 : i32
      %dma_start3A_71 = tpu.memref_slice %arg3[%arg0, %mul3A_4, %dma_start3A_70] : memref<2x2560x128xi32, #tpu.memory_space<hbm>> -> memref<1x160x128xi32, #tpu.memory_space<hbm>>
      %dma_start3A_72 = tpu.memref_squeeze %dma_start3A_71 : memref<1x160x128xi32, #tpu.memory_space<hbm>> -> memref<160x128xi32, #tpu.memory_space<hbm>>
      tpu.enqueue_dma source(%dma_start3A_72 : memref<160x128xi32, #tpu.memory_space<hbm>>) target(%arg7 : memref<160x128xi32, #tpu.memory_space<vmem>>) target_semaphore(%run_scoped3A : memref<!tpu.dma_semaphore, #tpu.memory_space<semaphore_mem>>)
      %dma_wait3A_73 = arith.constant 0 : i32
      %dma_wait3A_74 = tpu.memref_slice %arg3[%arg0, %mul3A_4, %dma_wait3A_73] : memref<2x2560x128xi32, #tpu.memory_space<hbm>> -> memref<1x160x128xi32, #tpu.memory_space<hbm>>
      %dma_wait3A_75 = tpu.memref_squeeze %dma_wait3A_74 : memref<1x160x128xi32, #tpu.memory_space<hbm>> -> memref<160x128xi32, #tpu.memory_space<hbm>>
      %dma_wait3A_76 = arith.constant 0 : i32
      %dma_wait3A_77 = tpu.memref_slice %arg3[%arg0, %mul3A_4, %dma_wait3A_76] : memref<2x2560x128xi32, #tpu.memory_space<hbm>> -> memref<1x160x128xi32, #tpu.memory_space<hbm>>
      %dma_wait3A_78 = tpu.memref_squeeze %dma_wait3A_77 : memref<1x160x128xi32, #tpu.memory_space<hbm>> -> memref<160x128xi32, #tpu.memory_space<hbm>>
      tpu.wait_dma2 semaphore(%run_scoped3A : memref<!tpu.dma_semaphore, #tpu.memory_space<semaphore_mem>>) src(%dma_wait3A_78 : memref<160x128xi32, #tpu.memory_space<hbm>>) dst(%arg7 : memref<160x128xi32, #tpu.memory_space<vmem>>)
      tpu.yield
    }) : () -> ()
    %mul3A_5 = arith.constant 160 : i32
    %mul3A_6 = arith.muli %arg1, %mul3A_5 : i32
    "tpu.region"() ({
      %run_scoped3A = tpu.sem_alloc : memref<!tpu.dma_semaphore, #tpu.memory_space<semaphore_mem>>
      %dma_start3A_67 = arith.constant 0 : i32
      %dma_start3A_68 = tpu.memref_slice %arg4[%mul3A_6, %dma_start3A_67] : memref<2560x128xi32, #tpu.memory_space<hbm>> -> memref<160x128xi32, #tpu.memory_space<hbm>>
      %dma_start3A_69 = arith.constant 0 : i32
      %dma_start3A_70 = tpu.memref_slice %arg4[%mul3A_6, %dma_start3A_69] : memref<2560x128xi32, #tpu.memory_space<hbm>> -> memref<160x128xi32, #tpu.memory_space<hbm>>
      tpu.enqueue_dma source(%dma_start3A_70 : memref<160x128xi32, #tpu.memory_space<hbm>>) target(%arg8 : memref<160x128xi32, #tpu.memory_space<vmem>>) target_semaphore(%run_scoped3A : memref<!tpu.dma_semaphore, #tpu.memory_space<semaphore_mem>>)
      %dma_wait3A_71 = arith.constant 0 : i32
      %dma_wait3A_72 = tpu.memref_slice %arg4[%mul3A_6, %dma_wait3A_71] : memref<2560x128xi32, #tpu.memory_space<hbm>> -> memref<160x128xi32, #tpu.memory_space<hbm>>
      %dma_wait3A_73 = arith.constant 0 : i32
      %dma_wait3A_74 = tpu.memref_slice %arg4[%mul3A_6, %dma_wait3A_73] : memref<2560x128xi32, #tpu.memory_space<hbm>> -> memref<160x128xi32, #tpu.memory_space<hbm>>
      tpu.wait_dma2 semaphore(%run_scoped3A : memref<!tpu.dma_semaphore, #tpu.memory_space<semaphore_mem>>) src(%dma_wait3A_74 : memref<160x128xi32, #tpu.memory_space<hbm>>) dst(%arg8 : memref<160x128xi32, #tpu.memory_space<vmem>>)
      tpu.yield
    }) : () -> ()
    %barrier3A = arith.constant 0 : index
    tpu.barrier barrier_id(%barrier3A)
    %dma_start3A = arith.constant 0 : i32
    %dma_start3A_7 = arith.constant 0 : i32
    %dma_start3A_8 = tpu.memref_slice %arg7[%dma_start3A, %dma_start3A_7] : memref<160x128xi32, #tpu.memory_space<vmem>> -> memref<1x128xi32, #tpu.memory_space<vmem>>
    %dma_start3A_9 = tpu.memref_squeeze %dma_start3A_8 : memref<1x128xi32, #tpu.memory_space<vmem>> -> memref<128xi32, #tpu.memory_space<vmem>>
    %dma_start3A_10 = arith.constant 0 : i32
    %dma_start3A_11 = arith.constant 0 : i32
    %dma_start3A_12 = tpu.memref_slice %arg13[%dma_start3A_10, %dma_start3A_11] : memref<10240x64xf32, #tpu.memory_space<vmem_shared>> -> memref<10240x64xf32, #tpu.memory_space<vmem_shared>>
    tpu.enqueue_indirect_dma source(%dma_start3A_12 : memref<10240x64xf32, #tpu.memory_space<vmem_shared>>) target(%arg9 : memref<128x64xf32, #tpu.memory_space<vmem>>) offsets(%dma_start3A_9 : memref<128xi32, #tpu.memory_space<vmem>>) semaphore(%arg14 : memref<!tpu.dma_semaphore, #tpu.memory_space<semaphore_mem>>)
    %dma_start3A_13 = arith.constant 1 : i32
    %dma_start3A_14 = arith.constant 0 : i32
    %dma_start3A_15 = tpu.memref_slice %arg7[%dma_start3A_13, %dma_start3A_14] : memref<160x128xi32, #tpu.memory_space<vmem>> -> memref<1x128xi32, #tpu.memory_space<vmem>>
    %dma_start3A_16 = tpu.memref_squeeze %dma_start3A_15 : memref<1x128xi32, #tpu.memory_space<vmem>> -> memref<128xi32, #tpu.memory_space<vmem>>
    %dma_start3A_17 = arith.constant 0 : i32
    %dma_start3A_18 = arith.constant 0 : i32
    %dma_start3A_19 = tpu.memref_slice %arg13[%dma_start3A_17, %dma_start3A_18] : memref<10240x64xf32, #tpu.memory_space<vmem_shared>> -> memref<10240x64xf32, #tpu.memory_space<vmem_shared>>
    tpu.enqueue_indirect_dma source(%dma_start3A_19 : memref<10240x64xf32, #tpu.memory_space<vmem_shared>>) target(%arg10 : memref<128x64xf32, #tpu.memory_space<vmem>>) offsets(%dma_start3A_16 : memref<128xi32, #tpu.memory_space<vmem>>) semaphore(%arg15 : memref<!tpu.dma_semaphore, #tpu.memory_space<semaphore_mem>>)
    %dma_start3A_20 = arith.constant 2 : i32
    %dma_start3A_21 = arith.constant 0 : i32
    %dma_start3A_22 = tpu.memref_slice %arg7[%dma_start3A_20, %dma_start3A_21] : memref<160x128xi32, #tpu.memory_space<vmem>> -> memref<1x128xi32, #tpu.memory_space<vmem>>
    %dma_start3A_23 = tpu.memref_squeeze %dma_start3A_22 : memref<1x128xi32, #tpu.memory_space<vmem>> -> memref<128xi32, #tpu.memory_space<vmem>>
    %dma_start3A_24 = arith.constant 0 : i32
    %dma_start3A_25 = arith.constant 0 : i32
    %dma_start3A_26 = tpu.memref_slice %arg13[%dma_start3A_24, %dma_start3A_25] : memref<10240x64xf32, #tpu.memory_space<vmem_shared>> -> memref<10240x64xf32, #tpu.memory_space<vmem_shared>>
    tpu.enqueue_indirect_dma source(%dma_start3A_26 : memref<10240x64xf32, #tpu.memory_space<vmem_shared>>) target(%arg11 : memref<128x64xf32, #tpu.memory_space<vmem>>) offsets(%dma_start3A_23 : memref<128xi32, #tpu.memory_space<vmem>>) semaphore(%arg16 : memref<!tpu.dma_semaphore, #tpu.memory_space<semaphore_mem>>)
    %dma_start3A_27 = arith.constant 3 : i32
    %dma_start3A_28 = arith.constant 0 : i32
    %dma_start3A_29 = tpu.memref_slice %arg7[%dma_start3A_27, %dma_start3A_28] : memref<160x128xi32, #tpu.memory_space<vmem>> -> memref<1x128xi32, #tpu.memory_space<vmem>>
    %dma_start3A_30 = tpu.memref_squeeze %dma_start3A_29 : memref<1x128xi32, #tpu.memory_space<vmem>> -> memref<128xi32, #tpu.memory_space<vmem>>
    %dma_start3A_31 = arith.constant 0 : i32
    %dma_start3A_32 = arith.constant 0 : i32
    %dma_start3A_33 = tpu.memref_slice %arg13[%dma_start3A_31, %dma_start3A_32] : memref<10240x64xf32, #tpu.memory_space<vmem_shared>> -> memref<10240x64xf32, #tpu.memory_space<vmem_shared>>
    tpu.enqueue_indirect_dma source(%dma_start3A_33 : memref<10240x64xf32, #tpu.memory_space<vmem_shared>>) target(%arg12 : memref<128x64xf32, #tpu.memory_space<vmem>>) offsets(%dma_start3A_30 : memref<128xi32, #tpu.memory_space<vmem>>) semaphore(%arg17 : memref<!tpu.dma_semaphore, #tpu.memory_space<semaphore_mem>>)
    %scan3A = arith.constant 0 : i32
    %scan3A_34 = arith.constant 0 : i32
    %scan3A_35 = arith.constant 39 : i32
    %scan3A_36 = arith.addi %scan3A_34, %scan3A_35 : i32
    %scan3A_37 = arith.constant 1 : i32
    scf.for %scan3A_67 = %scan3A_34 to %scan3A_36 step %scan3A_37  : i32 {
      %mul3A_68 = arith.constant 4 : i32
      %mul3A_69 = arith.muli %scan3A_67, %mul3A_68 : i32
      %add3A_70 = arith.constant 0 : i32
      %add3A_71 = arith.addi %mul3A_69, %add3A_70 : i32
      %dma_wait3A_72 = arith.constant 0 : i32
      %dma_wait3A_73 = tpu.memref_slice %arg7[%add3A_71, %dma_wait3A_72] : memref<160x128xi32, #tpu.memory_space<vmem>> -> memref<1x128xi32, #tpu.memory_space<vmem>>
      %dma_wait3A_74 = tpu.memref_squeeze %dma_wait3A_73 : memref<1x128xi32, #tpu.memory_space<vmem>> -> memref<128xi32, #tpu.memory_space<vmem>>
      %dma_wait3A_75 = arith.constant 0 : i32
      %dma_wait3A_76 = arith.constant 0 : i32
      %dma_wait3A_77 = tpu.memref_slice %arg13[%dma_wait3A_75, %dma_wait3A_76] : memref<10240x64xf32, #tpu.memory_space<vmem_shared>> -> memref<10240x64xf32, #tpu.memory_space<vmem_shared>>
      tpu.wait_indirect_dma semaphore(%arg14 : memref<!tpu.dma_semaphore, #tpu.memory_space<semaphore_mem>>) src(%dma_wait3A_77 : memref<10240x64xf32, #tpu.memory_space<vmem_shared>>) dst(%arg9 : memref<128x64xf32, #tpu.memory_space<vmem>>)
      %add3A_78 = arith.constant 4 : i32
      %add3A_79 = arith.addi %mul3A_69, %add3A_78 : i32
      %add3A_80 = arith.constant 0 : i32
      %add3A_81 = arith.addi %add3A_79, %add3A_80 : i32
      %dma_start3A_82 = arith.constant 0 : i32
      %dma_start3A_83 = tpu.memref_slice %arg7[%add3A_81, %dma_start3A_82] : memref<160x128xi32, #tpu.memory_space<vmem>> -> memref<1x128xi32, #tpu.memory_space<vmem>>
      %dma_start3A_84 = tpu.memref_squeeze %dma_start3A_83 : memref<1x128xi32, #tpu.memory_space<vmem>> -> memref<128xi32, #tpu.memory_space<vmem>>
      %dma_start3A_85 = arith.constant 0 : i32
      %dma_start3A_86 = arith.constant 0 : i32
      %dma_start3A_87 = tpu.memref_slice %arg13[%dma_start3A_85, %dma_start3A_86] : memref<10240x64xf32, #tpu.memory_space<vmem_shared>> -> memref<10240x64xf32, #tpu.memory_space<vmem_shared>>
      tpu.enqueue_indirect_dma source(%dma_start3A_87 : memref<10240x64xf32, #tpu.memory_space<vmem_shared>>) target(%arg9 : memref<128x64xf32, #tpu.memory_space<vmem>>) offsets(%dma_start3A_84 : memref<128xi32, #tpu.memory_space<vmem>>) semaphore(%arg14 : memref<!tpu.dma_semaphore, #tpu.memory_space<semaphore_mem>>)
      %add3A_88 = arith.constant 1 : i32
      %add3A_89 = arith.addi %mul3A_69, %add3A_88 : i32
      %dma_wait3A_90 = arith.constant 0 : i32
      %dma_wait3A_91 = tpu.memref_slice %arg7[%add3A_89, %dma_wait3A_90] : memref<160x128xi32, #tpu.memory_space<vmem>> -> memref<1x128xi32, #tpu.memory_space<vmem>>
      %dma_wait3A_92 = tpu.memref_squeeze %dma_wait3A_91 : memref<1x128xi32, #tpu.memory_space<vmem>> -> memref<128xi32, #tpu.memory_space<vmem>>
      %dma_wait3A_93 = arith.constant 0 : i32
      %dma_wait3A_94 = arith.constant 0 : i32
      %dma_wait3A_95 = tpu.memref_slice %arg13[%dma_wait3A_93, %dma_wait3A_94] : memref<10240x64xf32, #tpu.memory_space<vmem_shared>> -> memref<10240x64xf32, #tpu.memory_space<vmem_shared>>
      tpu.wait_indirect_dma semaphore(%arg15 : memref<!tpu.dma_semaphore, #tpu.memory_space<semaphore_mem>>) src(%dma_wait3A_95 : memref<10240x64xf32, #tpu.memory_space<vmem_shared>>) dst(%arg10 : memref<128x64xf32, #tpu.memory_space<vmem>>)
      %add3A_96 = arith.constant 4 : i32
      %add3A_97 = arith.addi %mul3A_69, %add3A_96 : i32
      %add3A_98 = arith.constant 1 : i32
      %add3A_99 = arith.addi %add3A_97, %add3A_98 : i32
      %dma_start3A_100 = arith.constant 0 : i32
      %dma_start3A_101 = tpu.memref_slice %arg7[%add3A_99, %dma_start3A_100] : memref<160x128xi32, #tpu.memory_space<vmem>> -> memref<1x128xi32, #tpu.memory_space<vmem>>
      %dma_start3A_102 = tpu.memref_squeeze %dma_start3A_101 : memref<1x128xi32, #tpu.memory_space<vmem>> -> memref<128xi32, #tpu.memory_space<vmem>>
      %dma_start3A_103 = arith.constant 0 : i32
      %dma_start3A_104 = arith.constant 0 : i32
      %dma_start3A_105 = tpu.memref_slice %arg13[%dma_start3A_103, %dma_start3A_104] : memref<10240x64xf32, #tpu.memory_space<vmem_shared>> -> memref<10240x64xf32, #tpu.memory_space<vmem_shared>>
      tpu.enqueue_indirect_dma source(%dma_start3A_105 : memref<10240x64xf32, #tpu.memory_space<vmem_shared>>) target(%arg10 : memref<128x64xf32, #tpu.memory_space<vmem>>) offsets(%dma_start3A_102 : memref<128xi32, #tpu.memory_space<vmem>>) semaphore(%arg15 : memref<!tpu.dma_semaphore, #tpu.memory_space<semaphore_mem>>)
      %add3A_106 = arith.constant 2 : i32
      %add3A_107 = arith.addi %mul3A_69, %add3A_106 : i32
      %dma_wait3A_108 = arith.constant 0 : i32
      %dma_wait3A_109 = tpu.memref_slice %arg7[%add3A_107, %dma_wait3A_108] : memref<160x128xi32, #tpu.memory_space<vmem>> -> memref<1x128xi32, #tpu.memory_space<vmem>>
      %dma_wait3A_110 = tpu.memref_squeeze %dma_wait3A_109 : memref<1x128xi32, #tpu.memory_space<vmem>> -> memref<128xi32, #tpu.memory_space<vmem>>
      %dma_wait3A_111 = arith.constant 0 : i32
      %dma_wait3A_112 = arith.constant 0 : i32
      %dma_wait3A_113 = tpu.memref_slice %arg13[%dma_wait3A_111, %dma_wait3A_112] : memref<10240x64xf32, #tpu.memory_space<vmem_shared>> -> memref<10240x64xf32, #tpu.memory_space<vmem_shared>>
      tpu.wait_indirect_dma semaphore(%arg16 : memref<!tpu.dma_semaphore, #tpu.memory_space<semaphore_mem>>) src(%dma_wait3A_113 : memref<10240x64xf32, #tpu.memory_space<vmem_shared>>) dst(%arg11 : memref<128x64xf32, #tpu.memory_space<vmem>>)
      %add3A_114 = arith.constant 4 : i32
      %add3A_115 = arith.addi %mul3A_69, %add3A_114 : i32
      %add3A_116 = arith.constant 2 : i32
      %add3A_117 = arith.addi %add3A_115, %add3A_116 : i32
      %dma_start3A_118 = arith.constant 0 : i32
      %dma_start3A_119 = tpu.memref_slice %arg7[%add3A_117, %dma_start3A_118] : memref<160x128xi32, #tpu.memory_space<vmem>> -> memref<1x128xi32, #tpu.memory_space<vmem>>
      %dma_start3A_120 = tpu.memref_squeeze %dma_start3A_119 : memref<1x128xi32, #tpu.memory_space<vmem>> -> memref<128xi32, #tpu.memory_space<vmem>>
      %dma_start3A_121 = arith.constant 0 : i32
      %dma_start3A_122 = arith.constant 0 : i32
      %dma_start3A_123 = tpu.memref_slice %arg13[%dma_start3A_121, %dma_start3A_122] : memref<10240x64xf32, #tpu.memory_space<vmem_shared>> -> memref<10240x64xf32, #tpu.memory_space<vmem_shared>>
      tpu.enqueue_indirect_dma source(%dma_start3A_123 : memref<10240x64xf32, #tpu.memory_space<vmem_shared>>) target(%arg11 : memref<128x64xf32, #tpu.memory_space<vmem>>) offsets(%dma_start3A_120 : memref<128xi32, #tpu.memory_space<vmem>>) semaphore(%arg16 : memref<!tpu.dma_semaphore, #tpu.memory_space<semaphore_mem>>)
      %add3A_124 = arith.constant 3 : i32
      %add3A_125 = arith.addi %mul3A_69, %add3A_124 : i32
      %dma_wait3A_126 = arith.constant 0 : i32
      %dma_wait3A_127 = tpu.memref_slice %arg7[%add3A_125, %dma_wait3A_126] : memref<160x128xi32, #tpu.memory_space<vmem>> -> memref<1x128xi32, #tpu.memory_space<vmem>>
      %dma_wait3A_128 = tpu.memref_squeeze %dma_wait3A_127 : memref<1x128xi32, #tpu.memory_space<vmem>> -> memref<128xi32, #tpu.memory_space<vmem>>
      %dma_wait3A_129 = arith.constant 0 : i32
      %dma_wait3A_130 = arith.constant 0 : i32
      %dma_wait3A_131 = tpu.memref_slice %arg13[%dma_wait3A_129, %dma_wait3A_130] : memref<10240x64xf32, #tpu.memory_space<vmem_shared>> -> memref<10240x64xf32, #tpu.memory_space<vmem_shared>>
      tpu.wait_indirect_dma semaphore(%arg17 : memref<!tpu.dma_semaphore, #tpu.memory_space<semaphore_mem>>) src(%dma_wait3A_131 : memref<10240x64xf32, #tpu.memory_space<vmem_shared>>) dst(%arg12 : memref<128x64xf32, #tpu.memory_space<vmem>>)
      %add3A_132 = arith.constant 4 : i32
      %add3A_133 = arith.addi %mul3A_69, %add3A_132 : i32
      %add3A_134 = arith.constant 3 : i32
      %add3A_135 = arith.addi %add3A_133, %add3A_134 : i32
      %dma_start3A_136 = arith.constant 0 : i32
      %dma_start3A_137 = tpu.memref_slice %arg7[%add3A_135, %dma_start3A_136] : memref<160x128xi32, #tpu.memory_space<vmem>> -> memref<1x128xi32, #tpu.memory_space<vmem>>
      %dma_start3A_138 = tpu.memref_squeeze %dma_start3A_137 : memref<1x128xi32, #tpu.memory_space<vmem>> -> memref<128xi32, #tpu.memory_space<vmem>>
      %dma_start3A_139 = arith.constant 0 : i32
      %dma_start3A_140 = arith.constant 0 : i32
      %dma_start3A_141 = tpu.memref_slice %arg13[%dma_start3A_139, %dma_start3A_140] : memref<10240x64xf32, #tpu.memory_space<vmem_shared>> -> memref<10240x64xf32, #tpu.memory_space<vmem_shared>>
      tpu.enqueue_indirect_dma source(%dma_start3A_141 : memref<10240x64xf32, #tpu.memory_space<vmem_shared>>) target(%arg12 : memref<128x64xf32, #tpu.memory_space<vmem>>) offsets(%dma_start3A_138 : memref<128xi32, #tpu.memory_space<vmem>>) semaphore(%arg17 : memref<!tpu.dma_semaphore, #tpu.memory_space<semaphore_mem>>)
    }
    %scan3A_38 = arith.constant 39 : i32
    %dma_wait3A = arith.constant 156 : i32
    %dma_wait3A_39 = arith.constant 0 : i32
    %dma_wait3A_40 = tpu.memref_slice %arg7[%dma_wait3A, %dma_wait3A_39] : memref<160x128xi32, #tpu.memory_space<vmem>> -> memref<1x128xi32, #tpu.memory_space<vmem>>
    %dma_wait3A_41 = tpu.memref_squeeze %dma_wait3A_40 : memref<1x128xi32, #tpu.memory_space<vmem>> -> memref<128xi32, #tpu.memory_space<vmem>>
    %dma_wait3A_42 = arith.constant 0 : i32
    %dma_wait3A_43 = arith.constant 0 : i32
    %dma_wait3A_44 = tpu.memref_slice %arg13[%dma_wait3A_42, %dma_wait3A_43] : memref<10240x64xf32, #tpu.memory_space<vmem_shared>> -> memref<10240x64xf32, #tpu.memory_space<vmem_shared>>
    tpu.wait_indirect_dma semaphore(%arg14 : memref<!tpu.dma_semaphore, #tpu.memory_space<semaphore_mem>>) src(%dma_wait3A_44 : memref<10240x64xf32, #tpu.memory_space<vmem_shared>>) dst(%arg9 : memref<128x64xf32, #tpu.memory_space<vmem>>)
    %dma_wait3A_45 = arith.constant 157 : i32
    %dma_wait3A_46 = arith.constant 0 : i32
    %dma_wait3A_47 = tpu.memref_slice %arg7[%dma_wait3A_45, %dma_wait3A_46] : memref<160x128xi32, #tpu.memory_space<vmem>> -> memref<1x128xi32, #tpu.memory_space<vmem>>
    %dma_wait3A_48 = tpu.memref_squeeze %dma_wait3A_47 : memref<1x128xi32, #tpu.memory_space<vmem>> -> memref<128xi32, #tpu.memory_space<vmem>>
    %dma_wait3A_49 = arith.constant 0 : i32
    %dma_wait3A_50 = arith.constant 0 : i32
    %dma_wait3A_51 = tpu.memref_slice %arg13[%dma_wait3A_49, %dma_wait3A_50] : memref<10240x64xf32, #tpu.memory_space<vmem_shared>> -> memref<10240x64xf32, #tpu.memory_space<vmem_shared>>
    tpu.wait_indirect_dma semaphore(%arg15 : memref<!tpu.dma_semaphore, #tpu.memory_space<semaphore_mem>>) src(%dma_wait3A_51 : memref<10240x64xf32, #tpu.memory_space<vmem_shared>>) dst(%arg10 : memref<128x64xf32, #tpu.memory_space<vmem>>)
    %dma_wait3A_52 = arith.constant 158 : i32
    %dma_wait3A_53 = arith.constant 0 : i32
    %dma_wait3A_54 = tpu.memref_slice %arg7[%dma_wait3A_52, %dma_wait3A_53] : memref<160x128xi32, #tpu.memory_space<vmem>> -> memref<1x128xi32, #tpu.memory_space<vmem>>
    %dma_wait3A_55 = tpu.memref_squeeze %dma_wait3A_54 : memref<1x128xi32, #tpu.memory_space<vmem>> -> memref<128xi32, #tpu.memory_space<vmem>>
    %dma_wait3A_56 = arith.constant 0 : i32
    %dma_wait3A_57 = arith.constant 0 : i32
    %dma_wait3A_58 = tpu.memref_slice %arg13[%dma_wait3A_56, %dma_wait3A_57] : memref<10240x64xf32, #tpu.memory_space<vmem_shared>> -> memref<10240x64xf32, #tpu.memory_space<vmem_shared>>
    tpu.wait_indirect_dma semaphore(%arg16 : memref<!tpu.dma_semaphore, #tpu.memory_space<semaphore_mem>>) src(%dma_wait3A_58 : memref<10240x64xf32, #tpu.memory_space<vmem_shared>>) dst(%arg11 : memref<128x64xf32, #tpu.memory_space<vmem>>)
    %dma_wait3A_59 = arith.constant 159 : i32
    %dma_wait3A_60 = arith.constant 0 : i32
    %dma_wait3A_61 = tpu.memref_slice %arg7[%dma_wait3A_59, %dma_wait3A_60] : memref<160x128xi32, #tpu.memory_space<vmem>> -> memref<1x128xi32, #tpu.memory_space<vmem>>
    %dma_wait3A_62 = tpu.memref_squeeze %dma_wait3A_61 : memref<1x128xi32, #tpu.memory_space<vmem>> -> memref<128xi32, #tpu.memory_space<vmem>>
    %dma_wait3A_63 = arith.constant 0 : i32
    %dma_wait3A_64 = arith.constant 0 : i32
    %dma_wait3A_65 = tpu.memref_slice %arg13[%dma_wait3A_63, %dma_wait3A_64] : memref<10240x64xf32, #tpu.memory_space<vmem_shared>> -> memref<10240x64xf32, #tpu.memory_space<vmem_shared>>
    tpu.wait_indirect_dma semaphore(%arg17 : memref<!tpu.dma_semaphore, #tpu.memory_space<semaphore_mem>>) src(%dma_wait3A_65 : memref<10240x64xf32, #tpu.memory_space<vmem_shared>>) dst(%arg12 : memref<128x64xf32, #tpu.memory_space<vmem>>)
    %barrier3A_66 = arith.constant 0 : index
    tpu.barrier barrier_id(%barrier3A_66)
    "tpu.region"() ({
      %run_scoped3A = tpu.sem_alloc : memref<!tpu.dma_semaphore, #tpu.memory_space<semaphore_mem>>
      %dma_start3A_67 = arith.constant 0 : i32
      %dma_start3A_68 = tpu.memref_slice %arg6[%arg0, %mul3A_0, %dma_start3A_67] : memref<2x10240x64xf32, #tpu.memory_space<hbm>> -> memref<1x640x64xf32, #tpu.memory_space<hbm>>
      %dma_start3A_69 = tpu.memref_squeeze %dma_start3A_68 : memref<1x640x64xf32, #tpu.memory_space<hbm>> -> memref<640x64xf32, #tpu.memory_space<hbm>>
      %dma_start3A_70 = arith.constant 0 : i32
      %dma_start3A_71 = tpu.memref_slice %arg13[%mul3A_0, %dma_start3A_70] : memref<10240x64xf32, #tpu.memory_space<vmem_shared>> -> memref<640x64xf32, #tpu.memory_space<vmem_shared>>
      tpu.enqueue_dma source(%dma_start3A_71 : memref<640x64xf32, #tpu.memory_space<vmem_shared>>) target(%dma_start3A_69 : memref<640x64xf32, #tpu.memory_space<hbm>>) target_semaphore(%run_scoped3A : memref<!tpu.dma_semaphore, #tpu.memory_space<semaphore_mem>>)
      %dma_wait3A_72 = arith.constant 0 : i32
      %dma_wait3A_73 = tpu.memref_slice %arg6[%arg0, %mul3A_0, %dma_wait3A_72] : memref<2x10240x64xf32, #tpu.memory_space<hbm>> -> memref<1x640x64xf32, #tpu.memory_space<hbm>>
      %dma_wait3A_74 = tpu.memref_squeeze %dma_wait3A_73 : memref<1x640x64xf32, #tpu.memory_space<hbm>> -> memref<640x64xf32, #tpu.memory_space<hbm>>
      %dma_wait3A_75 = arith.constant 0 : i32
      %dma_wait3A_76 = tpu.memref_slice %arg13[%mul3A_0, %dma_wait3A_75] : memref<10240x64xf32, #tpu.memory_space<vmem_shared>> -> memref<640x64xf32, #tpu.memory_space<vmem_shared>>
      tpu.wait_dma2 semaphore(%run_scoped3A : memref<!tpu.dma_semaphore, #tpu.memory_space<semaphore_mem>>) src(%dma_wait3A_76 : memref<640x64xf32, #tpu.memory_space<vmem_shared>>) dst(%dma_wait3A_74 : memref<640x64xf32, #tpu.memory_space<hbm>>)
      tpu.yield
    }) : () -> ()
    return
  }
}

#map = affine_map<(d0, d1) -> (0, 0)>
#map1 = affine_map<(d0, d1) -> (0, 0, 0)>
module attributes {stable_mosaic.version = 14 : i64} {
  func.func @k(%arg0: i32, %arg1: i32, %arg2: memref<20480x32xf32, #tpu.memory_space<hbm>>, %arg3: memref<2x2560x128xi32, #tpu.memory_space<hbm>>, %arg4: memref<2560x128xi32, #tpu.memory_space<hbm>>, %arg5: memref<10240x32xf32, #tpu.memory_space<hbm>>, %arg6: memref<2x10240x32xf32, #tpu.memory_space<hbm>>, %arg7: memref<160x128xi32, #tpu.memory_space<vmem>>, %arg8: memref<160x128xi32, #tpu.memory_space<vmem>>, %arg9: memref<128x32xf32, #tpu.memory_space<vmem>>, %arg10: memref<128x32xf32, #tpu.memory_space<vmem>>, %arg11: memref<128x32xf32, #tpu.memory_space<vmem>>, %arg12: memref<128x32xf32, #tpu.memory_space<vmem>>, %arg13: memref<10240x32xf32, #tpu.memory_space<vmem_shared>>, %arg14: memref<!tpu.dma_semaphore, #tpu.memory_space<semaphore_mem>>, %arg15: memref<!tpu.dma_semaphore, #tpu.memory_space<semaphore_mem>>, %arg16: memref<!tpu.dma_semaphore, #tpu.memory_space<semaphore_mem>>, %arg17: memref<!tpu.dma_semaphore, #tpu.memory_space<semaphore_mem>>, %arg18: memref<!tpu.dma_semaphore, #tpu.memory_space<semaphore_mem>>, %arg19: memref<!tpu.dma_semaphore, #tpu.memory_space<semaphore_mem>>, %arg20: memref<!tpu.dma_semaphore, #tpu.memory_space<semaphore_mem>>, %arg21: memref<!tpu.dma_semaphore, #tpu.memory_space<semaphore_mem>>) attributes {dimension_semantics = [#tpu.dimension_semantics<core_parallel>, #tpu.dimension_semantics<subcore_parallel>], iteration_bounds = array<i64: 2, 16>, scalar_prefetch = 0 : i64, scratch_operands = 15 : i64, tpu.core_type = #tpu.core_type<sc_vector_subcore>, window_params = [{transform_indices = #map}, {transform_indices = #map1}, {transform_indices = #map}, {transform_indices = #map}, {transform_indices = #map1}]} {
    %mul3A = arith.constant 640 : i32
    %mul3A_0 = arith.muli %arg1, %mul3A : i32
    %mul3A_1 = arith.constant 10240 : i32
    %mul3A_2 = arith.muli %arg0, %mul3A_1 : i32
    %add3A = arith.addi %mul3A_2, %mul3A_0 : i32
    "tpu.region"() ({
      %run_scoped3A = tpu.sem_alloc : memref<!tpu.dma_semaphore, #tpu.memory_space<semaphore_mem>>
      %dma_start3A_67 = arith.constant 0 : i32
      %dma_start3A_68 = tpu.memref_slice %arg13[%mul3A_0, %dma_start3A_67] : memref<10240x32xf32, #tpu.memory_space<vmem_shared>> -> memref<640x32xf32, #tpu.memory_space<vmem_shared>>
      %dma_start3A_69 = arith.constant 0 : i32
      %dma_start3A_70 = tpu.memref_slice %arg2[%add3A, %dma_start3A_69] : memref<20480x32xf32, #tpu.memory_space<hbm>> -> memref<640x32xf32, #tpu.memory_space<hbm>>
      tpu.enqueue_dma source(%dma_start3A_70 : memref<640x32xf32, #tpu.memory_space<hbm>>) target(%dma_start3A_68 : memref<640x32xf32, #tpu.memory_space<vmem_shared>>) target_semaphore(%run_scoped3A : memref<!tpu.dma_semaphore, #tpu.memory_space<semaphore_mem>>)
      %dma_wait3A_71 = arith.constant 0 : i32
      %dma_wait3A_72 = tpu.memref_slice %arg13[%mul3A_0, %dma_wait3A_71] : memref<10240x32xf32, #tpu.memory_space<vmem_shared>> -> memref<640x32xf32, #tpu.memory_space<vmem_shared>>
      %dma_wait3A_73 = arith.constant 0 : i32
      %dma_wait3A_74 = tpu.memref_slice %arg2[%add3A, %dma_wait3A_73] : memref<20480x32xf32, #tpu.memory_space<hbm>> -> memref<640x32xf32, #tpu.memory_space<hbm>>
      tpu.wait_dma2 semaphore(%run_scoped3A : memref<!tpu.dma_semaphore, #tpu.memory_space<semaphore_mem>>) src(%dma_wait3A_74 : memref<640x32xf32, #tpu.memory_space<hbm>>) dst(%dma_wait3A_72 : memref<640x32xf32, #tpu.memory_space<vmem_shared>>)
      tpu.yield
    }) : () -> ()
    %mul3A_3 = arith.constant 160 : i32
    %mul3A_4 = arith.muli %arg1, %mul3A_3 : i32
    "tpu.region"() ({
      %run_scoped3A = tpu.sem_alloc : memref<!tpu.dma_semaphore, #tpu.memory_space<semaphore_mem>>
      %dma_start3A_67 = arith.constant 0 : i32
      %dma_start3A_68 = tpu.memref_slice %arg3[%arg0, %mul3A_4, %dma_start3A_67] : memref<2x2560x128xi32, #tpu.memory_space<hbm>> -> memref<1x160x128xi32, #tpu.memory_space<hbm>>
      %dma_start3A_69 = tpu.memref_squeeze %dma_start3A_68 : memref<1x160x128xi32, #tpu.memory_space<hbm>> -> memref<160x128xi32, #tpu.memory_space<hbm>>
      %dma_start3A_70 = arith.constant 0 : i32
      %dma_start3A_71 = tpu.memref_slice %arg3[%arg0, %mul3A_4, %dma_start3A_70] : memref<2x2560x128xi32, #tpu.memory_space<hbm>> -> memref<1x160x128xi32, #tpu.memory_space<hbm>>
      %dma_start3A_72 = tpu.memref_squeeze %dma_start3A_71 : memref<1x160x128xi32, #tpu.memory_space<hbm>> -> memref<160x128xi32, #tpu.memory_space<hbm>>
      tpu.enqueue_dma source(%dma_start3A_72 : memref<160x128xi32, #tpu.memory_space<hbm>>) target(%arg7 : memref<160x128xi32, #tpu.memory_space<vmem>>) target_semaphore(%run_scoped3A : memref<!tpu.dma_semaphore, #tpu.memory_space<semaphore_mem>>)
      %dma_wait3A_73 = arith.constant 0 : i32
      %dma_wait3A_74 = tpu.memref_slice %arg3[%arg0, %mul3A_4, %dma_wait3A_73] : memref<2x2560x128xi32, #tpu.memory_space<hbm>> -> memref<1x160x128xi32, #tpu.memory_space<hbm>>
      %dma_wait3A_75 = tpu.memref_squeeze %dma_wait3A_74 : memref<1x160x128xi32, #tpu.memory_space<hbm>> -> memref<160x128xi32, #tpu.memory_space<hbm>>
      %dma_wait3A_76 = arith.constant 0 : i32
      %dma_wait3A_77 = tpu.memref_slice %arg3[%arg0, %mul3A_4, %dma_wait3A_76] : memref<2x2560x128xi32, #tpu.memory_space<hbm>> -> memref<1x160x128xi32, #tpu.memory_space<hbm>>
      %dma_wait3A_78 = tpu.memref_squeeze %dma_wait3A_77 : memref<1x160x128xi32, #tpu.memory_space<hbm>> -> memref<160x128xi32, #tpu.memory_space<hbm>>
      tpu.wait_dma2 semaphore(%run_scoped3A : memref<!tpu.dma_semaphore, #tpu.memory_space<semaphore_mem>>) src(%dma_wait3A_78 : memref<160x128xi32, #tpu.memory_space<hbm>>) dst(%arg7 : memref<160x128xi32, #tpu.memory_space<vmem>>)
      tpu.yield
    }) : () -> ()
    %mul3A_5 = arith.constant 160 : i32
    %mul3A_6 = arith.muli %arg1, %mul3A_5 : i32
    "tpu.region"() ({
      %run_scoped3A = tpu.sem_alloc : memref<!tpu.dma_semaphore, #tpu.memory_space<semaphore_mem>>
      %dma_start3A_67 = arith.constant 0 : i32
      %dma_start3A_68 = tpu.memref_slice %arg4[%mul3A_6, %dma_start3A_67] : memref<2560x128xi32, #tpu.memory_space<hbm>> -> memref<160x128xi32, #tpu.memory_space<hbm>>
      %dma_start3A_69 = arith.constant 0 : i32
      %dma_start3A_70 = tpu.memref_slice %arg4[%mul3A_6, %dma_start3A_69] : memref<2560x128xi32, #tpu.memory_space<hbm>> -> memref<160x128xi32, #tpu.memory_space<hbm>>
      tpu.enqueue_dma source(%dma_start3A_70 : memref<160x128xi32, #tpu.memory_space<hbm>>) target(%arg8 : memref<160x128xi32, #tpu.memory_space<vmem>>) target_semaphore(%run_scoped3A : memref<!tpu.dma_semaphore, #tpu.memory_space<semaphore_mem>>)
      %dma_wait3A_71 = arith.constant 0 : i32
      %dma_wait3A_72 = tpu.memref_slice %arg4[%mul3A_6, %dma_wait3A_71] : memref<2560x128xi32, #tpu.memory_space<hbm>> -> memref<160x128xi32, #tpu.memory_space<hbm>>
      %dma_wait3A_73 = arith.constant 0 : i32
      %dma_wait3A_74 = tpu.memref_slice %arg4[%mul3A_6, %dma_wait3A_73] : memref<2560x128xi32, #tpu.memory_space<hbm>> -> memref<160x128xi32, #tpu.memory_space<hbm>>
      tpu.wait_dma2 semaphore(%run_scoped3A : memref<!tpu.dma_semaphore, #tpu.memory_space<semaphore_mem>>) src(%dma_wait3A_74 : memref<160x128xi32, #tpu.memory_space<hbm>>) dst(%arg8 : memref<160x128xi32, #tpu.memory_space<vmem>>)
      tpu.yield
    }) : () -> ()
    %barrier3A = arith.constant 0 : index
    tpu.barrier barrier_id(%barrier3A)
    %dma_start3A = arith.constant 0 : i32
    %dma_start3A_7 = arith.constant 0 : i32
    %dma_start3A_8 = tpu.memref_slice %arg7[%dma_start3A, %dma_start3A_7] : memref<160x128xi32, #tpu.memory_space<vmem>> -> memref<1x128xi32, #tpu.memory_space<vmem>>
    %dma_start3A_9 = tpu.memref_squeeze %dma_start3A_8 : memref<1x128xi32, #tpu.memory_space<vmem>> -> memref<128xi32, #tpu.memory_space<vmem>>
    %dma_start3A_10 = arith.constant 0 : i32
    %dma_start3A_11 = arith.constant 0 : i32
    %dma_start3A_12 = tpu.memref_slice %arg13[%dma_start3A_10, %dma_start3A_11] : memref<10240x32xf32, #tpu.memory_space<vmem_shared>> -> memref<10240x32xf32, #tpu.memory_space<vmem_shared>>
    tpu.enqueue_indirect_dma source(%dma_start3A_12 : memref<10240x32xf32, #tpu.memory_space<vmem_shared>>) target(%arg9 : memref<128x32xf32, #tpu.memory_space<vmem>>) offsets(%dma_start3A_9 : memref<128xi32, #tpu.memory_space<vmem>>) semaphore(%arg14 : memref<!tpu.dma_semaphore, #tpu.memory_space<semaphore_mem>>)
    %dma_start3A_13 = arith.constant 1 : i32
    %dma_start3A_14 = arith.constant 0 : i32
    %dma_start3A_15 = tpu.memref_slice %arg7[%dma_start3A_13, %dma_start3A_14] : memref<160x128xi32, #tpu.memory_space<vmem>> -> memref<1x128xi32, #tpu.memory_space<vmem>>
    %dma_start3A_16 = tpu.memref_squeeze %dma_start3A_15 : memref<1x128xi32, #tpu.memory_space<vmem>> -> memref<128xi32, #tpu.memory_space<vmem>>
    %dma_start3A_17 = arith.constant 0 : i32
    %dma_start3A_18 = arith.constant 0 : i32
    %dma_start3A_19 = tpu.memref_slice %arg13[%dma_start3A_17, %dma_start3A_18] : memref<10240x32xf32, #tpu.memory_space<vmem_shared>> -> memref<10240x32xf32, #tpu.memory_space<vmem_shared>>
    tpu.enqueue_indirect_dma source(%dma_start3A_19 : memref<10240x32xf32, #tpu.memory_space<vmem_shared>>) target(%arg10 : memref<128x32xf32, #tpu.memory_space<vmem>>) offsets(%dma_start3A_16 : memref<128xi32, #tpu.memory_space<vmem>>) semaphore(%arg15 : memref<!tpu.dma_semaphore, #tpu.memory_space<semaphore_mem>>)
    %dma_start3A_20 = arith.constant 2 : i32
    %dma_start3A_21 = arith.constant 0 : i32
    %dma_start3A_22 = tpu.memref_slice %arg7[%dma_start3A_20, %dma_start3A_21] : memref<160x128xi32, #tpu.memory_space<vmem>> -> memref<1x128xi32, #tpu.memory_space<vmem>>
    %dma_start3A_23 = tpu.memref_squeeze %dma_start3A_22 : memref<1x128xi32, #tpu.memory_space<vmem>> -> memref<128xi32, #tpu.memory_space<vmem>>
    %dma_start3A_24 = arith.constant 0 : i32
    %dma_start3A_25 = arith.constant 0 : i32
    %dma_start3A_26 = tpu.memref_slice %arg13[%dma_start3A_24, %dma_start3A_25] : memref<10240x32xf32, #tpu.memory_space<vmem_shared>> -> memref<10240x32xf32, #tpu.memory_space<vmem_shared>>
    tpu.enqueue_indirect_dma source(%dma_start3A_26 : memref<10240x32xf32, #tpu.memory_space<vmem_shared>>) target(%arg11 : memref<128x32xf32, #tpu.memory_space<vmem>>) offsets(%dma_start3A_23 : memref<128xi32, #tpu.memory_space<vmem>>) semaphore(%arg16 : memref<!tpu.dma_semaphore, #tpu.memory_space<semaphore_mem>>)
    %dma_start3A_27 = arith.constant 3 : i32
    %dma_start3A_28 = arith.constant 0 : i32
    %dma_start3A_29 = tpu.memref_slice %arg7[%dma_start3A_27, %dma_start3A_28] : memref<160x128xi32, #tpu.memory_space<vmem>> -> memref<1x128xi32, #tpu.memory_space<vmem>>
    %dma_start3A_30 = tpu.memref_squeeze %dma_start3A_29 : memref<1x128xi32, #tpu.memory_space<vmem>> -> memref<128xi32, #tpu.memory_space<vmem>>
    %dma_start3A_31 = arith.constant 0 : i32
    %dma_start3A_32 = arith.constant 0 : i32
    %dma_start3A_33 = tpu.memref_slice %arg13[%dma_start3A_31, %dma_start3A_32] : memref<10240x32xf32, #tpu.memory_space<vmem_shared>> -> memref<10240x32xf32, #tpu.memory_space<vmem_shared>>
    tpu.enqueue_indirect_dma source(%dma_start3A_33 : memref<10240x32xf32, #tpu.memory_space<vmem_shared>>) target(%arg12 : memref<128x32xf32, #tpu.memory_space<vmem>>) offsets(%dma_start3A_30 : memref<128xi32, #tpu.memory_space<vmem>>) semaphore(%arg17 : memref<!tpu.dma_semaphore, #tpu.memory_space<semaphore_mem>>)
    %scan3A = arith.constant 0 : i32
    %scan3A_34 = arith.constant 0 : i32
    %scan3A_35 = arith.constant 39 : i32
    %scan3A_36 = arith.addi %scan3A_34, %scan3A_35 : i32
    %scan3A_37 = arith.constant 1 : i32
    scf.for %scan3A_67 = %scan3A_34 to %scan3A_36 step %scan3A_37  : i32 {
      %mul3A_68 = arith.constant 4 : i32
      %mul3A_69 = arith.muli %scan3A_67, %mul3A_68 : i32
      %add3A_70 = arith.constant 0 : i32
      %add3A_71 = arith.addi %mul3A_69, %add3A_70 : i32
      %dma_wait3A_72 = arith.constant 0 : i32
      %dma_wait3A_73 = tpu.memref_slice %arg7[%add3A_71, %dma_wait3A_72] : memref<160x128xi32, #tpu.memory_space<vmem>> -> memref<1x128xi32, #tpu.memory_space<vmem>>
      %dma_wait3A_74 = tpu.memref_squeeze %dma_wait3A_73 : memref<1x128xi32, #tpu.memory_space<vmem>> -> memref<128xi32, #tpu.memory_space<vmem>>
      %dma_wait3A_75 = arith.constant 0 : i32
      %dma_wait3A_76 = arith.constant 0 : i32
      %dma_wait3A_77 = tpu.memref_slice %arg13[%dma_wait3A_75, %dma_wait3A_76] : memref<10240x32xf32, #tpu.memory_space<vmem_shared>> -> memref<10240x32xf32, #tpu.memory_space<vmem_shared>>
      tpu.wait_indirect_dma semaphore(%arg14 : memref<!tpu.dma_semaphore, #tpu.memory_space<semaphore_mem>>) src(%dma_wait3A_77 : memref<10240x32xf32, #tpu.memory_space<vmem_shared>>) dst(%arg9 : memref<128x32xf32, #tpu.memory_space<vmem>>)
      %add3A_78 = arith.constant 4 : i32
      %add3A_79 = arith.addi %mul3A_69, %add3A_78 : i32
      %add3A_80 = arith.constant 0 : i32
      %add3A_81 = arith.addi %add3A_79, %add3A_80 : i32
      %dma_start3A_82 = arith.constant 0 : i32
      %dma_start3A_83 = tpu.memref_slice %arg7[%add3A_81, %dma_start3A_82] : memref<160x128xi32, #tpu.memory_space<vmem>> -> memref<1x128xi32, #tpu.memory_space<vmem>>
      %dma_start3A_84 = tpu.memref_squeeze %dma_start3A_83 : memref<1x128xi32, #tpu.memory_space<vmem>> -> memref<128xi32, #tpu.memory_space<vmem>>
      %dma_start3A_85 = arith.constant 0 : i32
      %dma_start3A_86 = arith.constant 0 : i32
      %dma_start3A_87 = tpu.memref_slice %arg13[%dma_start3A_85, %dma_start3A_86] : memref<10240x32xf32, #tpu.memory_space<vmem_shared>> -> memref<10240x32xf32, #tpu.memory_space<vmem_shared>>
      tpu.enqueue_indirect_dma source(%dma_start3A_87 : memref<10240x32xf32, #tpu.memory_space<vmem_shared>>) target(%arg9 : memref<128x32xf32, #tpu.memory_space<vmem>>) offsets(%dma_start3A_84 : memref<128xi32, #tpu.memory_space<vmem>>) semaphore(%arg14 : memref<!tpu.dma_semaphore, #tpu.memory_space<semaphore_mem>>)
      %add3A_88 = arith.constant 1 : i32
      %add3A_89 = arith.addi %mul3A_69, %add3A_88 : i32
      %dma_wait3A_90 = arith.constant 0 : i32
      %dma_wait3A_91 = tpu.memref_slice %arg7[%add3A_89, %dma_wait3A_90] : memref<160x128xi32, #tpu.memory_space<vmem>> -> memref<1x128xi32, #tpu.memory_space<vmem>>
      %dma_wait3A_92 = tpu.memref_squeeze %dma_wait3A_91 : memref<1x128xi32, #tpu.memory_space<vmem>> -> memref<128xi32, #tpu.memory_space<vmem>>
      %dma_wait3A_93 = arith.constant 0 : i32
      %dma_wait3A_94 = arith.constant 0 : i32
      %dma_wait3A_95 = tpu.memref_slice %arg13[%dma_wait3A_93, %dma_wait3A_94] : memref<10240x32xf32, #tpu.memory_space<vmem_shared>> -> memref<10240x32xf32, #tpu.memory_space<vmem_shared>>
      tpu.wait_indirect_dma semaphore(%arg15 : memref<!tpu.dma_semaphore, #tpu.memory_space<semaphore_mem>>) src(%dma_wait3A_95 : memref<10240x32xf32, #tpu.memory_space<vmem_shared>>) dst(%arg10 : memref<128x32xf32, #tpu.memory_space<vmem>>)
      %add3A_96 = arith.constant 4 : i32
      %add3A_97 = arith.addi %mul3A_69, %add3A_96 : i32
      %add3A_98 = arith.constant 1 : i32
      %add3A_99 = arith.addi %add3A_97, %add3A_98 : i32
      %dma_start3A_100 = arith.constant 0 : i32
      %dma_start3A_101 = tpu.memref_slice %arg7[%add3A_99, %dma_start3A_100] : memref<160x128xi32, #tpu.memory_space<vmem>> -> memref<1x128xi32, #tpu.memory_space<vmem>>
      %dma_start3A_102 = tpu.memref_squeeze %dma_start3A_101 : memref<1x128xi32, #tpu.memory_space<vmem>> -> memref<128xi32, #tpu.memory_space<vmem>>
      %dma_start3A_103 = arith.constant 0 : i32
      %dma_start3A_104 = arith.constant 0 : i32
      %dma_start3A_105 = tpu.memref_slice %arg13[%dma_start3A_103, %dma_start3A_104] : memref<10240x32xf32, #tpu.memory_space<vmem_shared>> -> memref<10240x32xf32, #tpu.memory_space<vmem_shared>>
      tpu.enqueue_indirect_dma source(%dma_start3A_105 : memref<10240x32xf32, #tpu.memory_space<vmem_shared>>) target(%arg10 : memref<128x32xf32, #tpu.memory_space<vmem>>) offsets(%dma_start3A_102 : memref<128xi32, #tpu.memory_space<vmem>>) semaphore(%arg15 : memref<!tpu.dma_semaphore, #tpu.memory_space<semaphore_mem>>)
      %add3A_106 = arith.constant 2 : i32
      %add3A_107 = arith.addi %mul3A_69, %add3A_106 : i32
      %dma_wait3A_108 = arith.constant 0 : i32
      %dma_wait3A_109 = tpu.memref_slice %arg7[%add3A_107, %dma_wait3A_108] : memref<160x128xi32, #tpu.memory_space<vmem>> -> memref<1x128xi32, #tpu.memory_space<vmem>>
      %dma_wait3A_110 = tpu.memref_squeeze %dma_wait3A_109 : memref<1x128xi32, #tpu.memory_space<vmem>> -> memref<128xi32, #tpu.memory_space<vmem>>
      %dma_wait3A_111 = arith.constant 0 : i32
      %dma_wait3A_112 = arith.constant 0 : i32
      %dma_wait3A_113 = tpu.memref_slice %arg13[%dma_wait3A_111, %dma_wait3A_112] : memref<10240x32xf32, #tpu.memory_space<vmem_shared>> -> memref<10240x32xf32, #tpu.memory_space<vmem_shared>>
      tpu.wait_indirect_dma semaphore(%arg16 : memref<!tpu.dma_semaphore, #tpu.memory_space<semaphore_mem>>) src(%dma_wait3A_113 : memref<10240x32xf32, #tpu.memory_space<vmem_shared>>) dst(%arg11 : memref<128x32xf32, #tpu.memory_space<vmem>>)
      %add3A_114 = arith.constant 4 : i32
      %add3A_115 = arith.addi %mul3A_69, %add3A_114 : i32
      %add3A_116 = arith.constant 2 : i32
      %add3A_117 = arith.addi %add3A_115, %add3A_116 : i32
      %dma_start3A_118 = arith.constant 0 : i32
      %dma_start3A_119 = tpu.memref_slice %arg7[%add3A_117, %dma_start3A_118] : memref<160x128xi32, #tpu.memory_space<vmem>> -> memref<1x128xi32, #tpu.memory_space<vmem>>
      %dma_start3A_120 = tpu.memref_squeeze %dma_start3A_119 : memref<1x128xi32, #tpu.memory_space<vmem>> -> memref<128xi32, #tpu.memory_space<vmem>>
      %dma_start3A_121 = arith.constant 0 : i32
      %dma_start3A_122 = arith.constant 0 : i32
      %dma_start3A_123 = tpu.memref_slice %arg13[%dma_start3A_121, %dma_start3A_122] : memref<10240x32xf32, #tpu.memory_space<vmem_shared>> -> memref<10240x32xf32, #tpu.memory_space<vmem_shared>>
      tpu.enqueue_indirect_dma source(%dma_start3A_123 : memref<10240x32xf32, #tpu.memory_space<vmem_shared>>) target(%arg11 : memref<128x32xf32, #tpu.memory_space<vmem>>) offsets(%dma_start3A_120 : memref<128xi32, #tpu.memory_space<vmem>>) semaphore(%arg16 : memref<!tpu.dma_semaphore, #tpu.memory_space<semaphore_mem>>)
      %add3A_124 = arith.constant 3 : i32
      %add3A_125 = arith.addi %mul3A_69, %add3A_124 : i32
      %dma_wait3A_126 = arith.constant 0 : i32
      %dma_wait3A_127 = tpu.memref_slice %arg7[%add3A_125, %dma_wait3A_126] : memref<160x128xi32, #tpu.memory_space<vmem>> -> memref<1x128xi32, #tpu.memory_space<vmem>>
      %dma_wait3A_128 = tpu.memref_squeeze %dma_wait3A_127 : memref<1x128xi32, #tpu.memory_space<vmem>> -> memref<128xi32, #tpu.memory_space<vmem>>
      %dma_wait3A_129 = arith.constant 0 : i32
      %dma_wait3A_130 = arith.constant 0 : i32
      %dma_wait3A_131 = tpu.memref_slice %arg13[%dma_wait3A_129, %dma_wait3A_130] : memref<10240x32xf32, #tpu.memory_space<vmem_shared>> -> memref<10240x32xf32, #tpu.memory_space<vmem_shared>>
      tpu.wait_indirect_dma semaphore(%arg17 : memref<!tpu.dma_semaphore, #tpu.memory_space<semaphore_mem>>) src(%dma_wait3A_131 : memref<10240x32xf32, #tpu.memory_space<vmem_shared>>) dst(%arg12 : memref<128x32xf32, #tpu.memory_space<vmem>>)
      %add3A_132 = arith.constant 4 : i32
      %add3A_133 = arith.addi %mul3A_69, %add3A_132 : i32
      %add3A_134 = arith.constant 3 : i32
      %add3A_135 = arith.addi %add3A_133, %add3A_134 : i32
      %dma_start3A_136 = arith.constant 0 : i32
      %dma_start3A_137 = tpu.memref_slice %arg7[%add3A_135, %dma_start3A_136] : memref<160x128xi32, #tpu.memory_space<vmem>> -> memref<1x128xi32, #tpu.memory_space<vmem>>
      %dma_start3A_138 = tpu.memref_squeeze %dma_start3A_137 : memref<1x128xi32, #tpu.memory_space<vmem>> -> memref<128xi32, #tpu.memory_space<vmem>>
      %dma_start3A_139 = arith.constant 0 : i32
      %dma_start3A_140 = arith.constant 0 : i32
      %dma_start3A_141 = tpu.memref_slice %arg13[%dma_start3A_139, %dma_start3A_140] : memref<10240x32xf32, #tpu.memory_space<vmem_shared>> -> memref<10240x32xf32, #tpu.memory_space<vmem_shared>>
      tpu.enqueue_indirect_dma source(%dma_start3A_141 : memref<10240x32xf32, #tpu.memory_space<vmem_shared>>) target(%arg12 : memref<128x32xf32, #tpu.memory_space<vmem>>) offsets(%dma_start3A_138 : memref<128xi32, #tpu.memory_space<vmem>>) semaphore(%arg17 : memref<!tpu.dma_semaphore, #tpu.memory_space<semaphore_mem>>)
    }
    %scan3A_38 = arith.constant 39 : i32
    %dma_wait3A = arith.constant 156 : i32
    %dma_wait3A_39 = arith.constant 0 : i32
    %dma_wait3A_40 = tpu.memref_slice %arg7[%dma_wait3A, %dma_wait3A_39] : memref<160x128xi32, #tpu.memory_space<vmem>> -> memref<1x128xi32, #tpu.memory_space<vmem>>
    %dma_wait3A_41 = tpu.memref_squeeze %dma_wait3A_40 : memref<1x128xi32, #tpu.memory_space<vmem>> -> memref<128xi32, #tpu.memory_space<vmem>>
    %dma_wait3A_42 = arith.constant 0 : i32
    %dma_wait3A_43 = arith.constant 0 : i32
    %dma_wait3A_44 = tpu.memref_slice %arg13[%dma_wait3A_42, %dma_wait3A_43] : memref<10240x32xf32, #tpu.memory_space<vmem_shared>> -> memref<10240x32xf32, #tpu.memory_space<vmem_shared>>
    tpu.wait_indirect_dma semaphore(%arg14 : memref<!tpu.dma_semaphore, #tpu.memory_space<semaphore_mem>>) src(%dma_wait3A_44 : memref<10240x32xf32, #tpu.memory_space<vmem_shared>>) dst(%arg9 : memref<128x32xf32, #tpu.memory_space<vmem>>)
    %dma_wait3A_45 = arith.constant 157 : i32
    %dma_wait3A_46 = arith.constant 0 : i32
    %dma_wait3A_47 = tpu.memref_slice %arg7[%dma_wait3A_45, %dma_wait3A_46] : memref<160x128xi32, #tpu.memory_space<vmem>> -> memref<1x128xi32, #tpu.memory_space<vmem>>
    %dma_wait3A_48 = tpu.memref_squeeze %dma_wait3A_47 : memref<1x128xi32, #tpu.memory_space<vmem>> -> memref<128xi32, #tpu.memory_space<vmem>>
    %dma_wait3A_49 = arith.constant 0 : i32
    %dma_wait3A_50 = arith.constant 0 : i32
    %dma_wait3A_51 = tpu.memref_slice %arg13[%dma_wait3A_49, %dma_wait3A_50] : memref<10240x32xf32, #tpu.memory_space<vmem_shared>> -> memref<10240x32xf32, #tpu.memory_space<vmem_shared>>
    tpu.wait_indirect_dma semaphore(%arg15 : memref<!tpu.dma_semaphore, #tpu.memory_space<semaphore_mem>>) src(%dma_wait3A_51 : memref<10240x32xf32, #tpu.memory_space<vmem_shared>>) dst(%arg10 : memref<128x32xf32, #tpu.memory_space<vmem>>)
    %dma_wait3A_52 = arith.constant 158 : i32
    %dma_wait3A_53 = arith.constant 0 : i32
    %dma_wait3A_54 = tpu.memref_slice %arg7[%dma_wait3A_52, %dma_wait3A_53] : memref<160x128xi32, #tpu.memory_space<vmem>> -> memref<1x128xi32, #tpu.memory_space<vmem>>
    %dma_wait3A_55 = tpu.memref_squeeze %dma_wait3A_54 : memref<1x128xi32, #tpu.memory_space<vmem>> -> memref<128xi32, #tpu.memory_space<vmem>>
    %dma_wait3A_56 = arith.constant 0 : i32
    %dma_wait3A_57 = arith.constant 0 : i32
    %dma_wait3A_58 = tpu.memref_slice %arg13[%dma_wait3A_56, %dma_wait3A_57] : memref<10240x32xf32, #tpu.memory_space<vmem_shared>> -> memref<10240x32xf32, #tpu.memory_space<vmem_shared>>
    tpu.wait_indirect_dma semaphore(%arg16 : memref<!tpu.dma_semaphore, #tpu.memory_space<semaphore_mem>>) src(%dma_wait3A_58 : memref<10240x32xf32, #tpu.memory_space<vmem_shared>>) dst(%arg11 : memref<128x32xf32, #tpu.memory_space<vmem>>)
    %dma_wait3A_59 = arith.constant 159 : i32
    %dma_wait3A_60 = arith.constant 0 : i32
    %dma_wait3A_61 = tpu.memref_slice %arg7[%dma_wait3A_59, %dma_wait3A_60] : memref<160x128xi32, #tpu.memory_space<vmem>> -> memref<1x128xi32, #tpu.memory_space<vmem>>
    %dma_wait3A_62 = tpu.memref_squeeze %dma_wait3A_61 : memref<1x128xi32, #tpu.memory_space<vmem>> -> memref<128xi32, #tpu.memory_space<vmem>>
    %dma_wait3A_63 = arith.constant 0 : i32
    %dma_wait3A_64 = arith.constant 0 : i32
    %dma_wait3A_65 = tpu.memref_slice %arg13[%dma_wait3A_63, %dma_wait3A_64] : memref<10240x32xf32, #tpu.memory_space<vmem_shared>> -> memref<10240x32xf32, #tpu.memory_space<vmem_shared>>
    tpu.wait_indirect_dma semaphore(%arg17 : memref<!tpu.dma_semaphore, #tpu.memory_space<semaphore_mem>>) src(%dma_wait3A_65 : memref<10240x32xf32, #tpu.memory_space<vmem_shared>>) dst(%arg12 : memref<128x32xf32, #tpu.memory_space<vmem>>)
    %barrier3A_66 = arith.constant 0 : index
    tpu.barrier barrier_id(%barrier3A_66)
    "tpu.region"() ({
      %run_scoped3A = tpu.sem_alloc : memref<!tpu.dma_semaphore, #tpu.memory_space<semaphore_mem>>
      %dma_start3A_67 = arith.constant 0 : i32
      %dma_start3A_68 = tpu.memref_slice %arg6[%arg0, %mul3A_0, %dma_start3A_67] : memref<2x10240x32xf32, #tpu.memory_space<hbm>> -> memref<1x640x32xf32, #tpu.memory_space<hbm>>
      %dma_start3A_69 = tpu.memref_squeeze %dma_start3A_68 : memref<1x640x32xf32, #tpu.memory_space<hbm>> -> memref<640x32xf32, #tpu.memory_space<hbm>>
      %dma_start3A_70 = arith.constant 0 : i32
      %dma_start3A_71 = tpu.memref_slice %arg13[%mul3A_0, %dma_start3A_70] : memref<10240x32xf32, #tpu.memory_space<vmem_shared>> -> memref<640x32xf32, #tpu.memory_space<vmem_shared>>
      tpu.enqueue_dma source(%dma_start3A_71 : memref<640x32xf32, #tpu.memory_space<vmem_shared>>) target(%dma_start3A_69 : memref<640x32xf32, #tpu.memory_space<hbm>>) target_semaphore(%run_scoped3A : memref<!tpu.dma_semaphore, #tpu.memory_space<semaphore_mem>>)
      %dma_wait3A_72 = arith.constant 0 : i32
      %dma_wait3A_73 = tpu.memref_slice %arg6[%arg0, %mul3A_0, %dma_wait3A_72] : memref<2x10240x32xf32, #tpu.memory_space<hbm>> -> memref<1x640x32xf32, #tpu.memory_space<hbm>>
      %dma_wait3A_74 = tpu.memref_squeeze %dma_wait3A_73 : memref<1x640x32xf32, #tpu.memory_space<hbm>> -> memref<640x32xf32, #tpu.memory_space<hbm>>
      %dma_wait3A_75 = arith.constant 0 : i32
      %dma_wait3A_76 = tpu.memref_slice %arg13[%mul3A_0, %dma_wait3A_75] : memref<10240x32xf32, #tpu.memory_space<vmem_shared>> -> memref<640x32xf32, #tpu.memory_space<vmem_shared>>
      tpu.wait_dma2 semaphore(%run_scoped3A : memref<!tpu.dma_semaphore, #tpu.memory_space<semaphore_mem>>) src(%dma_wait3A_76 : memref<640x32xf32, #tpu.memory_space<vmem_shared>>) dst(%dma_wait3A_74 : memref<640x32xf32, #tpu.memory_space<hbm>>)
      tpu.yield
    }) : () -> ()
    return
  }
}

#map = affine_map<(d0, d1) -> (0, 0)>
#map1 = affine_map<(d0, d1) -> (0, 0, 0)>
module attributes {stable_mosaic.version = 14 : i64} {
  func.func @k(%arg0: i32, %arg1: i32, %arg2: memref<2560x128xi32, #tpu.memory_space<hbm>>, %arg3: memref<10240x16xf32, #tpu.memory_space<hbm>>, %arg4: memref<128x16xf32, #tpu.memory_space<hbm>>, %arg5: memref<2x10240x16xf32, #tpu.memory_space<hbm>>, %arg6: memref<80x128xi32, #tpu.memory_space<vmem>>, %arg7: memref<128x16xf32, #tpu.memory_space<vmem>>, %arg8: memref<10240x16xf32, #tpu.memory_space<vmem_shared>>, %arg9: memref<!tpu.dma_semaphore, #tpu.memory_space<semaphore_mem>>) attributes {dimension_semantics = [#tpu.dimension_semantics<core_parallel>, #tpu.dimension_semantics<subcore_parallel>], iteration_bounds = array<i64: 2, 16>, scalar_prefetch = 0 : i64, scratch_operands = 4 : i64, tpu.core_type = #tpu.core_type<sc_vector_subcore>, window_params = [{transform_indices = #map}, {transform_indices = #map}, {transform_indices = #map}, {transform_indices = #map1}]} {
    %mul3A = arith.constant 16 : i32
    %mul3A_0 = arith.muli %arg0, %mul3A : i32
    %add3A = arith.addi %mul3A_0, %arg1 : i32
    %mul3A_1 = arith.constant 640 : i32
    %mul3A_2 = arith.muli %arg1, %mul3A_1 : i32
    "tpu.region"() ({
      %run_scoped3A = tpu.sem_alloc : memref<!tpu.dma_semaphore, #tpu.memory_space<semaphore_mem>>
      %dma_start3A = arith.constant 0 : i32
      %dma_start3A_17 = tpu.memref_slice %arg8[%mul3A_2, %dma_start3A] : memref<10240x16xf32, #tpu.memory_space<vmem_shared>> -> memref<640x16xf32, #tpu.memory_space<vmem_shared>>
      %dma_start3A_18 = arith.constant 0 : i32
      %dma_start3A_19 = tpu.memref_slice %arg3[%mul3A_2, %dma_start3A_18] : memref<10240x16xf32, #tpu.memory_space<hbm>> -> memref<640x16xf32, #tpu.memory_space<hbm>>
      tpu.enqueue_dma source(%dma_start3A_19 : memref<640x16xf32, #tpu.memory_space<hbm>>) target(%dma_start3A_17 : memref<640x16xf32, #tpu.memory_space<vmem_shared>>) target_semaphore(%run_scoped3A : memref<!tpu.dma_semaphore, #tpu.memory_space<semaphore_mem>>)
      %dma_wait3A = arith.constant 0 : i32
      %dma_wait3A_20 = tpu.memref_slice %arg8[%mul3A_2, %dma_wait3A] : memref<10240x16xf32, #tpu.memory_space<vmem_shared>> -> memref<640x16xf32, #tpu.memory_space<vmem_shared>>
      %dma_wait3A_21 = arith.constant 0 : i32
      %dma_wait3A_22 = tpu.memref_slice %arg3[%mul3A_2, %dma_wait3A_21] : memref<10240x16xf32, #tpu.memory_space<hbm>> -> memref<640x16xf32, #tpu.memory_space<hbm>>
      tpu.wait_dma2 semaphore(%run_scoped3A : memref<!tpu.dma_semaphore, #tpu.memory_space<semaphore_mem>>) src(%dma_wait3A_22 : memref<640x16xf32, #tpu.memory_space<hbm>>) dst(%dma_wait3A_20 : memref<640x16xf32, #tpu.memory_space<vmem_shared>>)
      tpu.yield
    }) : () -> ()
    "tpu.region"() ({
      %run_scoped3A = tpu.sem_alloc : memref<!tpu.dma_semaphore, #tpu.memory_space<semaphore_mem>>
      tpu.enqueue_dma source(%arg4 : memref<128x16xf32, #tpu.memory_space<hbm>>) target(%arg7 : memref<128x16xf32, #tpu.memory_space<vmem>>) target_semaphore(%run_scoped3A : memref<!tpu.dma_semaphore, #tpu.memory_space<semaphore_mem>>)
      tpu.wait_dma2 semaphore(%run_scoped3A : memref<!tpu.dma_semaphore, #tpu.memory_space<semaphore_mem>>) src(%arg4 : memref<128x16xf32, #tpu.memory_space<hbm>>) dst(%arg7 : memref<128x16xf32, #tpu.memory_space<vmem>>)
      tpu.yield
    }) : () -> ()
    %mul3A_3 = arith.constant 80 : i32
    %mul3A_4 = arith.muli %add3A, %mul3A_3 : i32
    "tpu.region"() ({
      %run_scoped3A = tpu.sem_alloc : memref<!tpu.dma_semaphore, #tpu.memory_space<semaphore_mem>>
      %dma_start3A = arith.constant 0 : i32
      %dma_start3A_17 = tpu.memref_slice %arg2[%mul3A_4, %dma_start3A] : memref<2560x128xi32, #tpu.memory_space<hbm>> -> memref<80x128xi32, #tpu.memory_space<hbm>>
      %dma_start3A_18 = arith.constant 0 : i32
      %dma_start3A_19 = tpu.memref_slice %arg2[%mul3A_4, %dma_start3A_18] : memref<2560x128xi32, #tpu.memory_space<hbm>> -> memref<80x128xi32, #tpu.memory_space<hbm>>
      tpu.enqueue_dma source(%dma_start3A_19 : memref<80x128xi32, #tpu.memory_space<hbm>>) target(%arg6 : memref<80x128xi32, #tpu.memory_space<vmem>>) target_semaphore(%run_scoped3A : memref<!tpu.dma_semaphore, #tpu.memory_space<semaphore_mem>>)
      %dma_wait3A = arith.constant 0 : i32
      %dma_wait3A_20 = tpu.memref_slice %arg2[%mul3A_4, %dma_wait3A] : memref<2560x128xi32, #tpu.memory_space<hbm>> -> memref<80x128xi32, #tpu.memory_space<hbm>>
      %dma_wait3A_21 = arith.constant 0 : i32
      %dma_wait3A_22 = tpu.memref_slice %arg2[%mul3A_4, %dma_wait3A_21] : memref<2560x128xi32, #tpu.memory_space<hbm>> -> memref<80x128xi32, #tpu.memory_space<hbm>>
      tpu.wait_dma2 semaphore(%run_scoped3A : memref<!tpu.dma_semaphore, #tpu.memory_space<semaphore_mem>>) src(%dma_wait3A_22 : memref<80x128xi32, #tpu.memory_space<hbm>>) dst(%arg6 : memref<80x128xi32, #tpu.memory_space<vmem>>)
      tpu.yield
    }) : () -> ()
    %barrier3A = arith.constant 0 : index
    tpu.barrier barrier_id(%barrier3A)
    %scan3A = arith.constant 0 : i32
    %scan3A_5 = arith.constant 0 : i32
    %scan3A_6 = arith.constant 80 : i32
    %scan3A_7 = arith.addi %scan3A_5, %scan3A_6 : i32
    %scan3A_8 = arith.constant 1 : i32
    scf.for %scan3A_17 = %scan3A_5 to %scan3A_7 step %scan3A_8  : i32 {
      %dma_start3A = arith.constant 0 : i32
      %dma_start3A_18 = tpu.memref_slice %arg6[%scan3A_17, %dma_start3A] : memref<80x128xi32, #tpu.memory_space<vmem>> -> memref<1x128xi32, #tpu.memory_space<vmem>>
      %dma_start3A_19 = tpu.memref_squeeze %dma_start3A_18 : memref<1x128xi32, #tpu.memory_space<vmem>> -> memref<128xi32, #tpu.memory_space<vmem>>
      %dma_start3A_20 = arith.constant 0 : i32
      %dma_start3A_21 = arith.constant 0 : i32
      %dma_start3A_22 = tpu.memref_slice %arg8[%dma_start3A_20, %dma_start3A_21] : memref<10240x16xf32, #tpu.memory_space<vmem_shared>> -> memref<10240x16xf32, #tpu.memory_space<vmem_shared>>
      tpu.enqueue_indirect_dma source(%arg7 : memref<128x16xf32, #tpu.memory_space<vmem>>) target(%dma_start3A_22 : memref<10240x16xf32, #tpu.memory_space<vmem_shared>>) offsets(%dma_start3A_19 : memref<128xi32, #tpu.memory_space<vmem>>) semaphore(%arg9 : memref<!tpu.dma_semaphore, #tpu.memory_space<semaphore_mem>>) {add = true}
    }
    %scan3A_9 = arith.constant 80 : i32
    %scan3A_10 = arith.constant 0 : i32
    %scan3A_11 = arith.constant 0 : i32
    %scan3A_12 = arith.constant 80 : i32
    %scan3A_13 = arith.addi %scan3A_11, %scan3A_12 : i32
    %scan3A_14 = arith.constant 1 : i32
    scf.for %scan3A_17 = %scan3A_11 to %scan3A_13 step %scan3A_14  : i32 {
      %dma_wait3A = arith.constant 0 : i32
      %dma_wait3A_18 = tpu.memref_slice %arg6[%scan3A_17, %dma_wait3A] : memref<80x128xi32, #tpu.memory_space<vmem>> -> memref<1x128xi32, #tpu.memory_space<vmem>>
      %dma_wait3A_19 = tpu.memref_squeeze %dma_wait3A_18 : memref<1x128xi32, #tpu.memory_space<vmem>> -> memref<128xi32, #tpu.memory_space<vmem>>
      %dma_wait3A_20 = arith.constant 0 : i32
      %dma_wait3A_21 = arith.constant 0 : i32
      %dma_wait3A_22 = tpu.memref_slice %arg8[%dma_wait3A_20, %dma_wait3A_21] : memref<10240x16xf32, #tpu.memory_space<vmem_shared>> -> memref<10240x16xf32, #tpu.memory_space<vmem_shared>>
      tpu.wait_indirect_dma semaphore(%arg9 : memref<!tpu.dma_semaphore, #tpu.memory_space<semaphore_mem>>) src(%arg7 : memref<128x16xf32, #tpu.memory_space<vmem>>) dst(%dma_wait3A_22 : memref<10240x16xf32, #tpu.memory_space<vmem_shared>>)
    }
    %scan3A_15 = arith.constant 80 : i32
    %barrier3A_16 = arith.constant 0 : index
    tpu.barrier barrier_id(%barrier3A_16)
    "tpu.region"() ({
      %run_scoped3A = tpu.sem_alloc : memref<!tpu.dma_semaphore, #tpu.memory_space<semaphore_mem>>
      %dma_start3A = arith.constant 0 : i32
      %dma_start3A_17 = tpu.memref_slice %arg5[%arg0, %mul3A_2, %dma_start3A] : memref<2x10240x16xf32, #tpu.memory_space<hbm>> -> memref<1x640x16xf32, #tpu.memory_space<hbm>>
      %dma_start3A_18 = tpu.memref_squeeze %dma_start3A_17 : memref<1x640x16xf32, #tpu.memory_space<hbm>> -> memref<640x16xf32, #tpu.memory_space<hbm>>
      %dma_start3A_19 = arith.constant 0 : i32
      %dma_start3A_20 = tpu.memref_slice %arg8[%mul3A_2, %dma_start3A_19] : memref<10240x16xf32, #tpu.memory_space<vmem_shared>> -> memref<640x16xf32, #tpu.memory_space<vmem_shared>>
      tpu.enqueue_dma source(%dma_start3A_20 : memref<640x16xf32, #tpu.memory_space<vmem_shared>>) target(%dma_start3A_18 : memref<640x16xf32, #tpu.memory_space<hbm>>) target_semaphore(%run_scoped3A : memref<!tpu.dma_semaphore, #tpu.memory_space<semaphore_mem>>)
      %dma_wait3A = arith.constant 0 : i32
      %dma_wait3A_21 = tpu.memref_slice %arg5[%arg0, %mul3A_2, %dma_wait3A] : memref<2x10240x16xf32, #tpu.memory_space<hbm>> -> memref<1x640x16xf32, #tpu.memory_space<hbm>>
      %dma_wait3A_22 = tpu.memref_squeeze %dma_wait3A_21 : memref<1x640x16xf32, #tpu.memory_space<hbm>> -> memref<640x16xf32, #tpu.memory_space<hbm>>
      %dma_wait3A_23 = arith.constant 0 : i32
      %dma_wait3A_24 = tpu.memref_slice %arg8[%mul3A_2, %dma_wait3A_23] : memref<10240x16xf32, #tpu.memory_space<vmem_shared>> -> memref<640x16xf32, #tpu.memory_space<vmem_shared>>
      tpu.wait_dma2 semaphore(%run_scoped3A : memref<!tpu.dma_semaphore, #tpu.memory_space<semaphore_mem>>) src(%dma_wait3A_24 : memref<640x16xf32, #tpu.memory_space<vmem_shared>>) dst(%dma_wait3A_22 : memref<640x16xf32, #tpu.memory_space<hbm>>)
      tpu.yield
    }) : () -> ()
    return
  }
}

module attributes {stable_mosaic.version = 14 : i64} {
  func.func @body(%arg0: i32, %arg1: memref<1024x128xf32, #tpu.memory_space<vmem>>, %arg2: memref<128x128xf32, #tpu.memory_space<vmem>>, %arg3: memref<1024x128xf32, #tpu.memory_space<vmem>>) attributes {dimension_semantics = [#tpu.dimension_semantics<arbitrary>], iteration_bounds = array<i64: 10>, scalar_prefetch = 0 : i64, scratch_operands = 0 : i64, tpu.core_type = #tpu.core_type<tc>, window_params = [{transform_indices = @transform_0, window_bounds = array<i64: 1024, 128>}, {pipeline_mode = #tpu.pipeline_mode<synchronous>, transform_indices = @transform_1, window_bounds = array<i64: 128, 128>}, {transform_indices = @transform_2, window_bounds = array<i64: 1024, 128>}]} {
    %get3A = arith.constant 0 : index
    %get3A_0 = arith.constant 0 : index
    %get3A_1 = vector.load %arg1[%get3A, %get3A_0] : memref<1024x128xf32, #tpu.memory_space<vmem>>, vector<1024x128xf32>
    %get3A_2 = arith.constant 0 : index
    %get3A_3 = arith.constant 0 : index
    %get3A_4 = vector.load %arg2[%get3A_2, %get3A_3] : memref<128x128xf32, #tpu.memory_space<vmem>>, vector<128x128xf32>
    %dot_general3A = arith.constant dense<0.000000e+00> : vector<1024x128xf32>
    %dot_general3A_5 = tpu.matmul %get3A_1, %get3A_4, %dot_general3A {dimension_numbers = #tpu.dot_dimension_numbers<[1], [0], [0], [1], [0, 0, 1, 1], [], []>, transpose_lhs_hint = false} : vector<1024x128xf32>, vector<128x128xf32>, vector<1024x128xf32> -> vector<1024x128xf32>
    %swap3A = arith.constant 0 : index
    %swap3A_6 = arith.constant 0 : index
    %swap3A_7 = vector.load %arg3[%swap3A, %swap3A_6] : memref<1024x128xf32, #tpu.memory_space<vmem>>, vector<1024x128xf32>
    tpu.vector_store %arg3[%swap3A, %swap3A_6], %dot_general3A_5 {strides = array<i32>} : memref<1024x128xf32, #tpu.memory_space<vmem>>, vector<1024x128xf32>,
    return
  }
  func.func @transform_0(%arg0: i32) -> (i32, i32) {
    %c0_i32 = arith.constant 0 : i32
    %c0_i32_0 = arith.constant 0 : i32
    return %arg0, %c0_i32 : i32, i32
  }
  func.func @transform_1(%arg0: i32) -> (i32, i32) {
    %c0_i32 = arith.constant 0 : i32
    %c0_i32_0 = arith.constant 0 : i32
    %c0_i32_1 = arith.constant 0 : i32
    return %c0_i32, %c0_i32_0 : i32, i32
  }
  func.func @transform_2(%arg0: i32) -> (i32, i32) {
    %c0_i32 = arith.constant 0 : i32
    %c0_i32_0 = arith.constant 0 : i32
    return %arg0, %c0_i32 : i32, i32
  }
}

module attributes {stable_mosaic.version = 14 : i64} {
  func.func @body(%arg0: i32, %arg1: memref<1024x128xf32, #tpu.memory_space<vmem>>, %arg2: memref<2x1024x16xf32, #tpu.memory_space<vmem>>, %arg3: memref<1024x16xf32, #tpu.memory_space<vmem>>, %arg4: memref<2x1024x64xf32, #tpu.memory_space<vmem>>) attributes {dimension_semantics = [#tpu.dimension_semantics<arbitrary>], iteration_bounds = array<i64: 10>, scalar_prefetch = 0 : i64, scratch_operands = 0 : i64, tpu.core_type = #tpu.core_type<tc>, window_params = [{transform_indices = @transform_0, window_bounds = array<i64: 1024, 128>}, {transform_indices = @transform_1, window_bounds = array<i64: 2, 1024, 16>}, {transform_indices = @transform_2, window_bounds = array<i64: 1024, 16>}, {transform_indices = @transform_3, window_bounds = array<i64: 2, 1024, 64>}]} {
    %get3A = arith.constant 0 : index
    %get3A_0 = arith.constant 0 : index
    %get3A_1 = arith.constant 0 : index
    %get3A_2 = vector.load %arg2[%get3A, %get3A_0, %get3A_1] : memref<2x1024x16xf32, #tpu.memory_space<vmem>>, vector<1x1024x16xf32>
    %get3A_3 = vector.shape_cast %get3A_2 : vector<1x1024x16xf32> to vector<1024x16xf32>
    %get3A_4 = arith.constant 1 : index
    %get3A_5 = arith.constant 0 : index
    %get3A_6 = arith.constant 0 : index
    %get3A_7 = vector.load %arg2[%get3A_4, %get3A_5, %get3A_6] : memref<2x1024x16xf32, #tpu.memory_space<vmem>>, vector<1x1024x16xf32>
    %get3A_8 = vector.shape_cast %get3A_7 : vector<1x1024x16xf32> to vector<1024x16xf32>
    %add3A = arith.addf %get3A_3, %get3A_8 : vector<1024x16xf32>
    %add3A_9 = arith.constant 1.000000e+00 : f32
    %add3A_10 = vector.broadcast %add3A_9 : f32 to vector<1024x16xf32>
    %add3A_11 = arith.addf %add3A, %add3A_10 : vector<1024x16xf32>
    %rsqrt3A = math.rsqrt %add3A_11 : vector<1024x16xf32>
    %swap3A = arith.constant 0 : index
    %swap3A_12 = arith.constant 0 : index
    %swap3A_13 = vector.load %arg3[%swap3A, %swap3A_12] : memref<1024x16xf32, #tpu.memory_space<vmem>>, vector<1024x16xf32>
    tpu.vector_store %arg3[%swap3A, %swap3A_12], %rsqrt3A {strides = array<i32>} : memref<1024x16xf32, #tpu.memory_space<vmem>>, vector<1024x16xf32>,
    %slice3A = vector.extract_strided_slice %rsqrt3A {offsets = [0, 0], sizes = [1024, 1], strides = [1, 1]} : vector<1024x16xf32> to vector<1024x1xf32>
    %get3A_14 = arith.constant 0 : index
    %get3A_15 = arith.constant 0 : index
    %get3A_16 = vector.load %arg1[%get3A_14, %get3A_15] : memref<1024x128xf32, #tpu.memory_space<vmem>>, vector<1024x128xf32>
    %mul3A = vector.broadcast %slice3A : vector<1024x1xf32> to vector<1024x128xf32>
    %mul3A_17 = arith.mulf %mul3A, %get3A_16 : vector<1024x128xf32>
    %slice3A_18 = vector.extract_strided_slice %mul3A_17 {offsets = [0, 0], sizes = [1024, 64], strides = [1, 1]} : vector<1024x128xf32> to vector<1024x64xf32>
    %swap3A_19 = arith.constant 0 : index
    %swap3A_20 = arith.constant 0 : index
    %swap3A_21 = arith.constant 0 : index
    %swap3A_22 = vector.load %arg4[%swap3A_19, %swap3A_20, %swap3A_21] : memref<2x1024x64xf32, #tpu.memory_space<vmem>>, vector<1x1024x64xf32>
    %swap3A_23 = vector.shape_cast %swap3A_22 : vector<1x1024x64xf32> to vector<1024x64xf32>
    %swap3A_24 = vector.shape_cast %slice3A_18 : vector<1024x64xf32> to vector<1x1024x64xf32>
    tpu.vector_store %arg4[%swap3A_19, %swap3A_20, %swap3A_21], %swap3A_24 {strides = array<i32>} : memref<2x1024x64xf32, #tpu.memory_space<vmem>>, vector<1x1024x64xf32>,
    %slice3A_25 = vector.extract_strided_slice %mul3A_17 {offsets = [0, 64], sizes = [1024, 64], strides = [1, 1]} : vector<1024x128xf32> to vector<1024x64xf32>
    %swap3A_26 = arith.constant 1 : index
    %swap3A_27 = arith.constant 0 : index
    %swap3A_28 = arith.constant 0 : index
    %swap3A_29 = vector.load %arg4[%swap3A_26, %swap3A_27, %swap3A_28] : memref<2x1024x64xf32, #tpu.memory_space<vmem>>, vector<1x1024x64xf32>
    %swap3A_30 = vector.shape_cast %swap3A_29 : vector<1x1024x64xf32> to vector<1024x64xf32>
    %swap3A_31 = vector.shape_cast %slice3A_25 : vector<1024x64xf32> to vector<1x1024x64xf32>
    tpu.vector_store %arg4[%swap3A_26, %swap3A_27, %swap3A_28], %swap3A_31 {strides = array<i32>} : memref<2x1024x64xf32, #tpu.memory_space<vmem>>, vector<1x1024x64xf32>,
    return
  }
  func.func @transform_0(%arg0: i32) -> (i32, i32) {
    %c0_i32 = arith.constant 0 : i32
    %c0_i32_0 = arith.constant 0 : i32
    return %arg0, %c0_i32 : i32, i32
  }
  func.func @transform_1(%arg0: i32) -> (i32, i32, i32) {
    %c0_i32 = arith.constant 0 : i32
    %c0_i32_0 = arith.constant 0 : i32
    %c0_i32_1 = arith.constant 0 : i32
    return %c0_i32, %arg0, %c0_i32_0 : i32, i32, i32
  }
  func.func @transform_2(%arg0: i32) -> (i32, i32) {
    %c0_i32 = arith.constant 0 : i32
    %c0_i32_0 = arith.constant 0 : i32
    return %arg0, %c0_i32 : i32, i32
  }
  func.func @transform_3(%arg0: i32) -> (i32, i32, i32) {
    %c0_i32 = arith.constant 0 : i32
    %c0_i32_0 = arith.constant 0 : i32
    %c0_i32_1 = arith.constant 0 : i32
    return %c0_i32, %arg0, %c0_i32_0 : i32, i32, i32
  }
}

module attributes {stable_mosaic.version = 14 : i64} {
  func.func @body(%arg0: i32, %arg1: memref<2x1024x64xf32, #tpu.memory_space<vmem>>, %arg2: memref<2x1024x64xf32, #tpu.memory_space<vmem>>, %arg3: memref<1024x16xf32, #tpu.memory_space<vmem>>, %arg4: memref<1x128xf32, #tpu.memory_space<vmem>>, %arg5: memref<128x64xf32, #tpu.memory_space<vmem>>, %arg6: memref<2x1024x32xf32, #tpu.memory_space<vmem>>) attributes {dimension_semantics = [#tpu.dimension_semantics<arbitrary>], iteration_bounds = array<i64: 10>, scalar_prefetch = 0 : i64, scratch_operands = 0 : i64, tpu.core_type = #tpu.core_type<tc>, window_params = [{transform_indices = @transform_0, window_bounds = array<i64: 2, 1024, 64>}, {transform_indices = @transform_1, window_bounds = array<i64: 2, 1024, 64>}, {transform_indices = @transform_2, window_bounds = array<i64: 1024, 16>}, {pipeline_mode = #tpu.pipeline_mode<synchronous>, transform_indices = @transform_3, window_bounds = array<i64: 1, 128>}, {pipeline_mode = #tpu.pipeline_mode<synchronous>, transform_indices = @transform_4, window_bounds = array<i64: 128, 64>}, {transform_indices = @transform_5, window_bounds = array<i64: 2, 1024, 32>}]} {
    %get3A = arith.constant 0 : index
    %get3A_0 = arith.constant 0 : index
    %get3A_1 = vector.load %arg3[%get3A, %get3A_0] : memref<1024x16xf32, #tpu.memory_space<vmem>>, vector<1024x1xf32>
    %get3A_2 = arith.constant 0 : index
    %get3A_3 = arith.constant 0 : index
    %get3A_4 = arith.constant 0 : index
    %get3A_5 = vector.load %arg2[%get3A_2, %get3A_3, %get3A_4] : memref<2x1024x64xf32, #tpu.memory_space<vmem>>, vector<1x1024x64xf32>
    %get3A_6 = vector.shape_cast %get3A_5 : vector<1x1024x64xf32> to vector<1024x64xf32>
    %get3A_7 = arith.constant 0 : index
    %get3A_8 = arith.constant 0 : index
    %get3A_9 = arith.constant 0 : index
    %get3A_10 = vector.load %arg1[%get3A_7, %get3A_8, %get3A_9] : memref<2x1024x64xf32, #tpu.memory_space<vmem>>, vector<1x1024x64xf32>
    %get3A_11 = vector.shape_cast %get3A_10 : vector<1x1024x64xf32> to vector<1024x64xf32>
    %add3A = arith.addf %get3A_6, %get3A_11 : vector<1024x64xf32>
    %get3A_12 = arith.constant 1 : index
    %get3A_13 = arith.constant 0 : index
    %get3A_14 = arith.constant 0 : index
    %get3A_15 = vector.load %arg2[%get3A_12, %get3A_13, %get3A_14] : memref<2x1024x64xf32, #tpu.memory_space<vmem>>, vector<1x1024x64xf32>
    %get3A_16 = vector.shape_cast %get3A_15 : vector<1x1024x64xf32> to vector<1024x64xf32>
    %get3A_17 = arith.constant 1 : index
    %get3A_18 = arith.constant 0 : index
    %get3A_19 = arith.constant 0 : index
    %get3A_20 = vector.load %arg1[%get3A_17, %get3A_18, %get3A_19] : memref<2x1024x64xf32, #tpu.memory_space<vmem>>, vector<1x1024x64xf32>
    %get3A_21 = vector.shape_cast %get3A_20 : vector<1x1024x64xf32> to vector<1024x64xf32>
    %add3A_22 = arith.addf %get3A_16, %get3A_21 : vector<1024x64xf32>
    %concatenate3A = tpu.concatenate %add3A, %add3A_22 in 1 : vector<1024x64xf32>, vector<1024x64xf32> -> vector<1024x128xf32>
    %mul3A = vector.broadcast %get3A_1 : vector<1024x1xf32> to vector<1024x128xf32>
    %mul3A_23 = arith.mulf %mul3A, %concatenate3A : vector<1024x128xf32>
    %get3A_24 = arith.constant 0 : index
    %get3A_25 = arith.constant 0 : index
    %get3A_26 = vector.load %arg4[%get3A_24, %get3A_25] : memref<1x128xf32, #tpu.memory_space<vmem>>, vector<1x128xf32>
    %add3A_27 = vector.broadcast %get3A_26 : vector<1x128xf32> to vector<1024x128xf32>
    %add3A_28 = arith.addf %mul3A_23, %add3A_27 : vector<1024x128xf32>
    %max3A = arith.constant 0.000000e+00 : f32
    %max3A_29 = vector.broadcast %max3A : f32 to vector<1024x128xf32>
    %max3A_30 = arith.maximumf %add3A_28, %max3A_29 : vector<1024x128xf32>
    %get3A_31 = arith.constant 0 : index
    %get3A_32 = arith.constant 0 : index
    %get3A_33 = vector.load %arg5[%get3A_31, %get3A_32] : memref<128x64xf32, #tpu.memory_space<vmem>>, vector<128x64xf32>
    %dot_general3A = arith.constant dense<0.000000e+00> : vector<1024x64xf32>
    %dot_general3A_34 = tpu.matmul %max3A_30, %get3A_33, %dot_general3A {dimension_numbers = #tpu.dot_dimension_numbers<[1], [0], [0], [1], [0, 0, 1, 1], [], []>, transpose_lhs_hint = false} : vector<1024x128xf32>, vector<128x64xf32>, vector<1024x64xf32> -> vector<1024x64xf32>
    %mul3A_35 = vector.broadcast %get3A_1 : vector<1024x1xf32> to vector<1024x64xf32>
    %mul3A_36 = arith.mulf %mul3A_35, %dot_general3A_34 : vector<1024x64xf32>
    %slice3A = vector.extract_strided_slice %mul3A_36 {offsets = [0, 0], sizes = [1024, 32], strides = [1, 1]} : vector<1024x64xf32> to vector<1024x32xf32>
    %swap3A = arith.constant 0 : index
    %swap3A_37 = arith.constant 0 : index
    %swap3A_38 = arith.constant 0 : index
    %swap3A_39 = vector.load %arg6[%swap3A, %swap3A_37, %swap3A_38] : memref<2x1024x32xf32, #tpu.memory_space<vmem>>, vector<1x1024x32xf32>
    %swap3A_40 = vector.shape_cast %swap3A_39 : vector<1x1024x32xf32> to vector<1024x32xf32>
    %swap3A_41 = vector.shape_cast %slice3A : vector<1024x32xf32> to vector<1x1024x32xf32>
    tpu.vector_store %arg6[%swap3A, %swap3A_37, %swap3A_38], %swap3A_41 {strides = array<i32>} : memref<2x1024x32xf32, #tpu.memory_space<vmem>>, vector<1x1024x32xf32>,
    %slice3A_42 = vector.extract_strided_slice %mul3A_36 {offsets = [0, 32], sizes = [1024, 32], strides = [1, 1]} : vector<1024x64xf32> to vector<1024x32xf32>
    %swap3A_43 = arith.constant 1 : index
    %swap3A_44 = arith.constant 0 : index
    %swap3A_45 = arith.constant 0 : index
    %swap3A_46 = vector.load %arg6[%swap3A_43, %swap3A_44, %swap3A_45] : memref<2x1024x32xf32, #tpu.memory_space<vmem>>, vector<1x1024x32xf32>
    %swap3A_47 = vector.shape_cast %swap3A_46 : vector<1x1024x32xf32> to vector<1024x32xf32>
    %swap3A_48 = vector.shape_cast %slice3A_42 : vector<1024x32xf32> to vector<1x1024x32xf32>
    tpu.vector_store %arg6[%swap3A_43, %swap3A_44, %swap3A_45], %swap3A_48 {strides = array<i32>} : memref<2x1024x32xf32, #tpu.memory_space<vmem>>, vector<1x1024x32xf32>,
    return
  }
  func.func @transform_0(%arg0: i32) -> (i32, i32, i32) {
    %c0_i32 = arith.constant 0 : i32
    %c0_i32_0 = arith.constant 0 : i32
    %c0_i32_1 = arith.constant 0 : i32
    return %c0_i32, %arg0, %c0_i32_0 : i32, i32, i32
  }
  func.func @transform_1(%arg0: i32) -> (i32, i32, i32) {
    %c0_i32 = arith.constant 0 : i32
    %c0_i32_0 = arith.constant 0 : i32
    %c0_i32_1 = arith.constant 0 : i32
    return %c0_i32, %arg0, %c0_i32_0 : i32, i32, i32
  }
  func.func @transform_2(%arg0: i32) -> (i32, i32) {
    %c0_i32 = arith.constant 0 : i32
    %c0_i32_0 = arith.constant 0 : i32
    return %arg0, %c0_i32 : i32, i32
  }
  func.func @transform_3(%arg0: i32) -> (i32, i32) {
    %c0_i32 = arith.constant 0 : i32
    %c0_i32_0 = arith.constant 0 : i32
    %c0_i32_1 = arith.constant 0 : i32
    return %c0_i32, %c0_i32_0 : i32, i32
  }
  func.func @transform_4(%arg0: i32) -> (i32, i32) {
    %c0_i32 = arith.constant 0 : i32
    %c0_i32_0 = arith.constant 0 : i32
    %c0_i32_1 = arith.constant 0 : i32
    return %c0_i32, %c0_i32_0 : i32, i32
  }
  func.func @transform_5(%arg0: i32) -> (i32, i32, i32) {
    %c0_i32 = arith.constant 0 : i32
    %c0_i32_0 = arith.constant 0 : i32
    %c0_i32_1 = arith.constant 0 : i32
    return %c0_i32, %arg0, %c0_i32_0 : i32, i32, i32
  }
}

module attributes {stable_mosaic.version = 14 : i64} {
  func.func @body(%arg0: i32, %arg1: memref<2x1024x32xf32, #tpu.memory_space<vmem>>, %arg2: memref<2x1024x32xf32, #tpu.memory_space<vmem>>, %arg3: memref<1024x16xf32, #tpu.memory_space<vmem>>, %arg4: memref<1x64xf32, #tpu.memory_space<vmem>>, %arg5: memref<64x64xf32, #tpu.memory_space<vmem>>, %arg6: memref<1x64xf32, #tpu.memory_space<vmem>>, %arg7: memref<1024x64xf32, #tpu.memory_space<vmem>>, %arg8: memref<1024x64xf32, #tpu.memory_space<vmem>>) attributes {dimension_semantics = [#tpu.dimension_semantics<arbitrary>], iteration_bounds = array<i64: 10>, scalar_prefetch = 0 : i64, scratch_operands = 0 : i64, tpu.core_type = #tpu.core_type<tc>, window_params = [{transform_indices = @transform_0, window_bounds = array<i64: 2, 1024, 32>}, {transform_indices = @transform_1, window_bounds = array<i64: 2, 1024, 32>}, {transform_indices = @transform_2, window_bounds = array<i64: 1024, 16>}, {pipeline_mode = #tpu.pipeline_mode<synchronous>, transform_indices = @transform_3, window_bounds = array<i64: 1, 64>}, {pipeline_mode = #tpu.pipeline_mode<synchronous>, transform_indices = @transform_4, window_bounds = array<i64: 64, 64>}, {pipeline_mode = #tpu.pipeline_mode<synchronous>, transform_indices = @transform_5, window_bounds = array<i64: 1, 64>}, {transform_indices = @transform_6, window_bounds = array<i64: 1024, 64>}, {transform_indices = @transform_7, window_bounds = array<i64: 1024, 64>}]} {
    %get3A = arith.constant 0 : index
    %get3A_0 = arith.constant 0 : index
    %get3A_1 = vector.load %arg3[%get3A, %get3A_0] : memref<1024x16xf32, #tpu.memory_space<vmem>>, vector<1024x1xf32>
    %get3A_2 = arith.constant 0 : index
    %get3A_3 = arith.constant 0 : index
    %get3A_4 = arith.constant 0 : index
    %get3A_5 = vector.load %arg2[%get3A_2, %get3A_3, %get3A_4] : memref<2x1024x32xf32, #tpu.memory_space<vmem>>, vector<1x1024x32xf32>
    %get3A_6 = vector.shape_cast %get3A_5 : vector<1x1024x32xf32> to vector<1024x32xf32>
    %get3A_7 = arith.constant 0 : index
    %get3A_8 = arith.constant 0 : index
    %get3A_9 = arith.constant 0 : index
    %get3A_10 = vector.load %arg1[%get3A_7, %get3A_8, %get3A_9] : memref<2x1024x32xf32, #tpu.memory_space<vmem>>, vector<1x1024x32xf32>
    %get3A_11 = vector.shape_cast %get3A_10 : vector<1x1024x32xf32> to vector<1024x32xf32>
    %add3A = arith.addf %get3A_6, %get3A_11 : vector<1024x32xf32>
    %get3A_12 = arith.constant 1 : index
    %get3A_13 = arith.constant 0 : index
    %get3A_14 = arith.constant 0 : index
    %get3A_15 = vector.load %arg2[%get3A_12, %get3A_13, %get3A_14] : memref<2x1024x32xf32, #tpu.memory_space<vmem>>, vector<1x1024x32xf32>
    %get3A_16 = vector.shape_cast %get3A_15 : vector<1x1024x32xf32> to vector<1024x32xf32>
    %get3A_17 = arith.constant 1 : index
    %get3A_18 = arith.constant 0 : index
    %get3A_19 = arith.constant 0 : index
    %get3A_20 = vector.load %arg1[%get3A_17, %get3A_18, %get3A_19] : memref<2x1024x32xf32, #tpu.memory_space<vmem>>, vector<1x1024x32xf32>
    %get3A_21 = vector.shape_cast %get3A_20 : vector<1x1024x32xf32> to vector<1024x32xf32>
    %add3A_22 = arith.addf %get3A_16, %get3A_21 : vector<1024x32xf32>
    %concatenate3A = tpu.concatenate %add3A, %add3A_22 in 1 : vector<1024x32xf32>, vector<1024x32xf32> -> vector<1024x64xf32>
    %mul3A = vector.broadcast %get3A_1 : vector<1024x1xf32> to vector<1024x64xf32>
    %mul3A_23 = arith.mulf %mul3A, %concatenate3A : vector<1024x64xf32>
    %get3A_24 = arith.constant 0 : index
    %get3A_25 = arith.constant 0 : index
    %get3A_26 = vector.load %arg4[%get3A_24, %get3A_25] : memref<1x64xf32, #tpu.memory_space<vmem>>, vector<1x64xf32>
    %add3A_27 = vector.broadcast %get3A_26 : vector<1x64xf32> to vector<1024x64xf32>
    %add3A_28 = arith.addf %mul3A_23, %add3A_27 : vector<1024x64xf32>
    %max3A = arith.constant 0.000000e+00 : f32
    %max3A_29 = vector.broadcast %max3A : f32 to vector<1024x64xf32>
    %max3A_30 = arith.maximumf %add3A_28, %max3A_29 : vector<1024x64xf32>
    %swap3A = arith.constant 0 : index
    %swap3A_31 = arith.constant 0 : index
    %swap3A_32 = vector.load %arg7[%swap3A, %swap3A_31] : memref<1024x64xf32, #tpu.memory_space<vmem>>, vector<1024x64xf32>
    tpu.vector_store %arg7[%swap3A, %swap3A_31], %max3A_30 {strides = array<i32>} : memref<1024x64xf32, #tpu.memory_space<vmem>>, vector<1024x64xf32>,
    %get3A_33 = arith.constant 0 : index
    %get3A_34 = arith.constant 0 : index
    %get3A_35 = vector.load %arg5[%get3A_33, %get3A_34] : memref<64x64xf32, #tpu.memory_space<vmem>>, vector<64x64xf32>
    %dot_general3A = arith.constant dense<0.000000e+00> : vector<1024x64xf32>
    %dot_general3A_36 = tpu.matmul %max3A_30, %get3A_35, %dot_general3A {dimension_numbers = #tpu.dot_dimension_numbers<[1], [0], [0], [1], [0, 0, 1, 1], [], []>, transpose_lhs_hint = false} : vector<1024x64xf32>, vector<64x64xf32>, vector<1024x64xf32> -> vector<1024x64xf32>
    %get3A_37 = arith.constant 0 : index
    %get3A_38 = arith.constant 0 : index
    %get3A_39 = vector.load %arg6[%get3A_37, %get3A_38] : memref<1x64xf32, #tpu.memory_space<vmem>>, vector<1x64xf32>
    %add3A_40 = vector.broadcast %get3A_39 : vector<1x64xf32> to vector<1024x64xf32>
    %add3A_41 = arith.addf %dot_general3A_36, %add3A_40 : vector<1024x64xf32>
    %swap3A_42 = arith.constant 0 : index
    %swap3A_43 = arith.constant 0 : index
    %swap3A_44 = vector.load %arg8[%swap3A_42, %swap3A_43] : memref<1024x64xf32, #tpu.memory_space<vmem>>, vector<1024x64xf32>
    tpu.vector_store %arg8[%swap3A_42, %swap3A_43], %add3A_41 {strides = array<i32>} : memref<1024x64xf32, #tpu.memory_space<vmem>>, vector<1024x64xf32>,
    return
  }
  func.func @transform_0(%arg0: i32) -> (i32, i32, i32) {
    %c0_i32 = arith.constant 0 : i32
    %c0_i32_0 = arith.constant 0 : i32
    %c0_i32_1 = arith.constant 0 : i32
    return %c0_i32, %arg0, %c0_i32_0 : i32, i32, i32
  }
  func.func @transform_1(%arg0: i32) -> (i32, i32, i32) {
    %c0_i32 = arith.constant 0 : i32
    %c0_i32_0 = arith.constant 0 : i32
    %c0_i32_1 = arith.constant 0 : i32
    return %c0_i32, %arg0, %c0_i32_0 : i32, i32, i32
  }
  func.func @transform_2(%arg0: i32) -> (i32, i32) {
    %c0_i32 = arith.constant 0 : i32
    %c0_i32_0 = arith.constant 0 : i32
    return %arg0, %c0_i32 : i32, i32
  }
  func.func @transform_3(%arg0: i32) -> (i32, i32) {
    %c0_i32 = arith.constant 0 : i32
    %c0_i32_0 = arith.constant 0 : i32
    %c0_i32_1 = arith.constant 0 : i32
    return %c0_i32, %c0_i32_0 : i32, i32
  }
  func.func @transform_4(%arg0: i32) -> (i32, i32) {
    %c0_i32 = arith.constant 0 : i32
    %c0_i32_0 = arith.constant 0 : i32
    %c0_i32_1 = arith.constant 0 : i32
    return %c0_i32, %c0_i32_0 : i32, i32
  }
  func.func @transform_5(%arg0: i32) -> (i32, i32) {
    %c0_i32 = arith.constant 0 : i32
    %c0_i32_0 = arith.constant 0 : i32
    %c0_i32_1 = arith.constant 0 : i32
    return %c0_i32, %c0_i32_0 : i32, i32
  }
  func.func @transform_6(%arg0: i32) -> (i32, i32) {
    %c0_i32 = arith.constant 0 : i32
    %c0_i32_0 = arith.constant 0 : i32
    return %arg0, %c0_i32 : i32, i32
  }
  func.func @transform_7(%arg0: i32) -> (i32, i32) {
    %c0_i32 = arith.constant 0 : i32
    %c0_i32_0 = arith.constant 0 : i32
    return %arg0, %c0_i32 : i32, i32
  }
}

</mosaic_0001>

<sc_bundles>
// kernel: kernel.12.cloned.1.call-start
scs
__scs_entry_jumppad:
0x0: {  	(pc) =	sbr.rel $0x88, $3  }
0x1: {  	(tag) =	ssettag $0x0;
	lr =	simm.s32 $0x1  }
0x2: {  	[smem:$0x3F99] =	sst lr;
	_ =	strace $0xD0000000  }
0x3: {  	_ = 	snop  }
0x4: {  	_ = 	snop  }
0x5: {  	_ = 	snop  }
0x6: {  	_ = 	snop  }
0x7: {  	_ = 	snop  }
__scs_overlays_trampoline_lowered:
0x8: {  	[smem:$0x3FA8] =	sst s0  }
0x9: {  	[smem:$0x3FA9] =	sst s1  }
0xa: {  	[smem:$0x3FAA] =	sst s2  }
0xb: {  	[smem:$0x3FAB] =	sst s3  }
0xc: {  	[smem:$0x3FAC] =	sst s4  }
0xd: {  	[smem:$0x3FAD] =	sst s5  }
0xe: {  	[smem:$0x3FAE] =	sst s6  }
0xf: {  	[smem:$0x3FAF] =	sst s7  }
0x10: {  	[smem:$0x3FB0] =	sst s8  }
0x11: {  	[smem:$0x3FB1] =	sst s9;
	s0 =	simm.s32 @!p0 $0x0  }
0x12: {  	s1 =	sld [smem:$0x3F97];
	s0 =	simm.s32 @p0 $0x1  }
0x13: {  	[smem:$0x3FB2] =	sst s0;
	s0 =	simm.s32 @!p1 $0x0  }
0x14: {  	s2 =	sld [smem:$0x3F96];
	s0 =	simm.s32 @p1 $0x1  }
0x15: {  	[smem:$0x3FB3] =	sst s0;
	s0 =	simm.s32 @!p2 $0x0  }
0x16: {  	s3 =	sld [smem:$0x3FDB];
	s0 =	simm.s32 @p2 $0x1  }
0x17: {  	s4 =	simm.s32 $0x1BF5;
	[smem:$0x3FB5] =	sst s0  }
0x18: {  	s0 =	sld [smem:$0x3F98];
	_ =	swait.ge [sflag:s4], $0x0  }
0x19: {  	s7 =	sld [smem:$0x3F99]  }
0x1a: {  	s8 =	sadd.s32 $0xFFFFE003, lr  }
0x1b: {  	s9 =	sadd.s32 $0xFFFFFEF7, lr;
	s5 =	simm.s32 $0xFFFFFFFF;
	p2 =	slt.u32 s8, $0xFFFFF086  }
0x1c: {  	p1 =	slt.u32 s9, $0xF7A;
	s5 =	simm.s32 @!p2 $0x0  }
0x1d: {  	s5 =	simm.s32 @p1 $0x1;
	p0 =	seq.s32 s7, s2  }
0x1e: {  	s7 =	smul.u32 @!p0 $0xF7A, s2;
	p2 =	seq.s32 @!p0 s5, $0x0  }
0x1f: {  	s9 =	smul.u32 $0xF7A, s1;
	s8 =	simm.s32 @!p0 $0x1BF5;
	p2 =	por !p2, p0  }
0x20: {  	[sflag:s8] =	ssyncset.s32 @!p0 $0xFFFFF086;
	s6 =	sadd.s32 @!p0 s3, s7;
	s7 =	simm.s32 @!p0 $0x108  }
0x21: {  	s3 =	sadd.s32 s3, s9;
	s6 =	sadd.s32 @!p0 $0x88, s6;
	s7 =	simm.s32 @p2 $0x1082  }
0x22: {  	[simem:s7], [sflag:s8] =	dma.local @!p0 [hbm:s6], $0xF7A  }
0x23: {  	s9 =	sor.u32 $0xD0000000, s2;
	s6 =	simm.s32 $0x108;
	_ =	swait.ge @!p0 [sflag:s8], $0x0  }
0x24: {  	s3 =	sadd.s32 $0x88, s3;
	s6 =	simm.s32 @!p1 $0x1082;
	[sflag:s4] =	ssyncset.s32 $0xFFFFF086  }
0x25: {  	[simem:s6], [sflag:s4] =	dma.local [hbm:s3], $0xF7A  }
0x26: {  	[smem:$0x3F99] =	sst s1;
	(tag) =	ssettag s2;
	_ =	strace s9  }
0x27: {  	s1 =	sld [smem:$0x3FA9]  }
0x28: {  	s2 =	sld [smem:$0x3FAA]  }
0x29: {  	s4 =	sld [smem:$0x3FAC]  }
0x2a: {  	p0 =	seq.s32 s5, $0x0;
	s5 =	sld [smem:$0x3FAD]  }
0x2b: {  	s6 =	sld [smem:$0x3FAE]  }
0x2c: {  	s7 =	sld [smem:$0x3FAF]  }
0x2d: {  	s3 =	simm.s32 $0x108;
	s8 =	sld [smem:$0x3FB0]  }
0x2e: {  	s3 =	simm.s32 @!p0 $0x1082;
	s9 =	sld [smem:$0x3FB1]  }
0x2f: {  	lr =	sadd.s32 s0, s3;
	s0 =	sld [smem:$0x3FA8]  }
0x30: {  	s3 =	sld [smem:$0x3FAB]  }
0x31: {  	[smem:$0x3FB4] =	sst s10  }
0x32: {  	s10 =	sld [smem:$0x3FB2];
	_ =	sdelay $0x3  }
0x33: {  	p0 =	seq.s32 s10, $0x1;
	s10 =	sld [smem:$0x3FB4];
	_ =	sdelay $0x3  }
0x34: {  	[smem:$0x3FB4] =	sst s10  }
0x35: {  	s10 =	sld [smem:$0x3FB3];
	_ =	sdelay $0x3  }
0x36: {  	p1 =	seq.s32 s10, $0x1;
	s10 =	sld [smem:$0x3FB4];
	_ =	sdelay $0x3  }
0x37: {  	[smem:$0x3FB4] =	sst s10  }
0x38: {  	s10 =	sld [smem:$0x3FB5]  }
0x39: {  	_ = 	snop;
	(pc) =	sbr.ind lr, $3  }
0x3a: {  	_ = 	snop  }
0x3b: {  	_ = 	snop  }
0x3c: {  	p2 =	seq.s32 s10, $0x1;
	s10 =	sld [smem:$0x3FB4]  }
0x3d: {  	_ =	shalt  }
0x3e: {  	_ =	shalt  }
0x3f: {  	_ =	shalt  }
0x40: {  	_ =	shalt  }
0x41: {  	_ =	shalt  }
0x42: {  	_ =	shalt  }
0x43: {  	_ =	shalt  }
0x44: {  	_ =	shalt  }
0x45: {  	_ =	shalt  }
0x46: {  	_ =	shalt  }
0x47: {  	_ =	shalt  }
0x48: {  	_ =	shalt  }
0x49: {  	_ =	shalt  }
0x4a: {  	_ =	shalt  }
0x4b: {  	_ =	shalt  }
0x4c: {  	_ =	shalt  }
0x4d: {  	_ =	shalt  }
0x4e: {  	_ =	shalt  }
0x4f: {  	_ =	shalt  }
0x50: {  	_ =	shalt  }
0x51: {  	_ =	shalt  }
0x52: {  	_ =	shalt  }
0x53: {  	_ =	shalt  }
0x54: {  	_ =	shalt  }
0x55: {  	_ =	shalt  }
0x56: {  	_ =	shalt  }
0x57: {  	_ =	shalt  }
0x58: {  	_ =	shalt  }
0x59: {  	_ =	shalt  }
0x5a: {  	_ =	shalt  }
0x5b: {  	_ =	shalt  }
0x5c: {  	_ =	shalt  }
0x5d: {  	_ =	shalt  }
0x5e: {  	_ =	shalt  }
0x5f: {  	_ =	shalt  }
0x60: {  	_ =	shalt  }
0x61: {  	_ =	shalt  }
0x62: {  	_ =	shalt  }
0x63: {  	_ =	shalt  }
0x64: {  	_ =	shalt  }
0x65: {  	_ =	shalt  }
0x66: {  	_ =	shalt  }
0x67: {  	_ =	shalt  }
0x68: {  	_ =	shalt  }
0x69: {  	_ =	shalt  }
0x6a: {  	_ =	shalt  }
0x6b: {  	_ =	shalt  }
0x6c: {  	_ =	shalt  }
0x6d: {  	_ =	shalt  }
0x6e: {  	_ =	shalt  }
0x6f: {  	_ =	shalt  }
0x70: {  	_ =	shalt  }
0x71: {  	_ =	shalt  }
0x72: {  	_ =	shalt  }
0x73: {  	_ =	shalt  }
0x74: {  	_ =	shalt  }
0x75: {  	_ =	shalt  }
0x76: {  	_ =	shalt  }
0x77: {  	_ =	shalt  }
0x78: {  	_ =	shalt  }
0x79: {  	_ =	shalt  }
0x7a: {  	_ =	shalt  }
0x7b: {  	_ =	shalt  }
0x7c: {  	_ =	shalt  }
0x7d: {  	_ =	shalt  }
0x7e: {  	_ =	shalt  }
0x7f: {  	_ =	shalt  }
0x80: {  	_ =	shalt  }
0x81: {  	_ =	shalt  }
0x82: {  	_ =	shalt  }
0x83: {  	_ =	shalt  }
0x84: {  	_ =	shalt  }
0x85: {  	_ =	shalt  }
0x86: {  	_ =	shalt  }
0x87: {  	_ =	shalt  }
.Lfunc_end0:
.L_simem_size_0:
called_computation.1_lowered:
.L_overlay_start_0:
0x88: {  	s2 =	sld [smem:$0x3FD9]  }
0x89: {  	s3 =	sld [smem:$0x3FFE];
	_ =	sdelay $0x1  }
0x8a: {  	s1 =	srdreg.scid  }
0x8b: {  	s0 =	sand.u32 $0x1, s1  }
0x8c: {  	s14 =	sshll.u32 s0, $0xA;
	s2 =	sadd.s32 s3, s2  }
0x8d: {  	s2 =	sadd.s32 s2, s14  }
0x8e: {  	[smem:$0x3FC0] =	sst s2  }
0x8f: {  	_ = 	snop  }
0x90: {  	s2 =	sld [smem:$0x3FD0];
	_ =	sdelay $0x2  }
0x91: {  	s15 =	simm.s32 $0xA;
	s4 =	simm.s32 $0x10  }
0x92: {  	[smem:s4], [sflag:s15] =	dma.local [hbm:s2], $0x1  }
0x93: {  	_ =	swait.eq [sflag:s15], $0x1  }
0x94: {  	[sflag:s15] =	ssyncset.done $0x0  }
0x95: {  	[sflag:s15] =	ssyncadd.s32 $0xFFFFFFFF  }
0x96: {  	s16 =	sld [smem:$0x11];
	(tm) =	ssettm $0x1  }
0x97: {  	s17 =	sld [smem:$0x3FFB];
	_ =	sdelay $0x3  }
0x98: {  	_ =	strace s17  }
0x99: {  	s3 =	sld [smem:$0x3FFC];
	_ =	sdelay $0x3  }
0x9a: {  	_ =	strace s3  }
0x9b: {  	s3 =	sld [smem:$0x3FFD];
	_ =	sdelay $0x3  }
0x9c: {  	_ =	strace s3  }
0x9d: {  	_ =	strace $0x8FFFFFFF  }
0x9e: {  	s18 =	sld [smem:$0x3FDB];
	_ =	sdelay $0x1  }
0x9f: {  	s19 =	simm.s32 $_scs_section_size  }
0xa0: {  	s5 =	simm.s32 $_size__tile_overlayer_lowered;
	s6 =	simm.s32 $_tile_overlayer_lowered  }
0xa1: {  	s22 =	simm.s32 $0x1BFF;
	s21 =	sshll.u32 s6, $0x1;
	s3 =	sadd.s32 s19, s18  }
0xa2: {  	s7 =	simm.s32 $0x0;
	s20 =	sshll.u32 s5, $0x1;
	s5 =	sadd.s32 s21, s3  }
0xa3: {  	[timem:s7], [sflag:s22] =	dma.local [hbm:s5], s20  }
0xa4: {  	_ =	swait.ge [sflag:s22], s20  }
0xa5: {  	s4 =	ssub.s32 $0x0, s20;
	[sflag:s22] =	ssyncset.done $0x0  }
0xa6: {  	[sflag:s22] =	ssyncadd.s32 s4;
	_ =	sdelay $0x1  }
0xa7: {  	s23 =	simm.s32 $0x1B8B  }
0xa8: {  	_ =	swait.ge [sflag:s23], $0x1  }
0xa9: {  	[sflag:s23] =	ssyncset.done $0x0  }
0xaa: {  	s25 =	simm.s32 $0x1B8E;
	s24 =	sld [smem:$0x3FFE];
	[sflag:s23] =	ssyncadd.s32 $0xFFFFFFFF  }
0xab: {  	s26 =	simm.s32 $execute0_lowered;
	[smem:$0x3FD2] =	sst s25  }
0xac: {  	s5 =	sshll.u32 s26, $0x1;
	_ =	strace $0x80000049;
	[dreg:$0x1] =	wrdreg $0xFFFFFFFF  }
0xad: {  	s28 =	simm.s32 $_size_execute0_lowered;
	s3 =	sadd.s32 s3, s5;
	[dreg:$0x0] =	wrdreg $0x0  }
0xae: {  	s5 =	sshll.u32 s28, $0x1;
	[dreg:$0x2] =	wrdreg s3  }
0xaf: {  	[dreg:$0x3] =	wrdreg s5  }
0xb0: {  	[dreg:$0x4] =	wrdreg $0xC0  }
0xb1: {  	_ =	task [dreg:s7], $0x5FFFF  }
0xb2: {  	[dreg:$0x1] =	wrdreg $0xFFFFFFFF  }
0xb3: {  	[dreg:$0x0] =	wrdreg $0x60  }
0xb4: {  	[dreg:$0x2] =	wrdreg s24  }
0xb5: {  	[dreg:$0x3] =	wrdreg s16  }
0xb6: {  	[dreg:$0x4] =	wrdreg $0x120000  }
0xb7: {  	[dreg:$0x5] =	wrdreg $0x9  }
0xb8: {  	_ =	task.clear_ibuf [dreg:s7], $0x6FFFF;
	_ =	strace $0x90000049  }
0xb9: {  	s29 =	simm.s32 $0x9;
	_ =	strace $0x8000004B  }
0xba: {  	_ =	swait.ge [sflag:s29], $0x1  }
0xbb: {  	[sflag:s29] =	ssyncadd.s32 $0xFFFFFFFF  }
0xbc: {  	_ =	strace $0x9000004B  }
0xbd: {  	_ =	sfence  }
0xbe: {  	s30 =	sld [smem:$0x0];
	_ =	sdelay $0x2  }
0xbf: {  	s31 =	sshll.u32 s1, $0xD;
	s1 =	sshrl.u32 s1, $0x2  }
0xc0: {  	s3 =	sand.u32 $0x4000, s31;
	s1 =	sadd.s32 s1, s30  }
0xc1: {  	s0 =	sor.u32 s3, s0;
	s1 =	sshll.u32 s1, $0x11  }
0xc2: {  	s0 =	sor.u32 s1, s0  }
0xc3: {  	s0 =	sadd.s32 $0x8F2B, s0  }
0xc4: {  	[sflag:s0] =	ssyncadd.remote.s32 $0x1  }
0xc5: {  	_ =	sfence.sel $0xFFFF  }
0xc6: {  	[dreg:$0x0] =	wrdreg $0xFFFFFFFF;
	(pc) =	sbr.abs _section_cstart, $3  }
0xc7: {  	[dreg:$0x1] =	wrdreg $0xFFFFFFFF  }
0xc8: {  	_ =	task.clear_ibuf [dreg:s7], $0x2FFFF;
	_ =	strace $0x9FFFFFFF  }
0xc9: {  	(tm) =	ssettm $0x7FFFFFFF  }
tec
execute0_lowered:
.L_overlay_start_1:
0x0: {  	(tag) =	ssettag $0x1  }
0x1: {  	s6 =	rddreg [dreg:$0x0]  }
0x2: {  	s8 =	rddreg [dreg:$0x1]  }
0x3: {  	s2 =	rddreg [dreg:$0x2]  }
0x4: {  	s0 =	srdreg.scid;
	s1 =	rddreg [dreg:$0x3];
	s3 =	simm.s32 $0x0  }
0x5: {  	s14 =	simm.s32 $0xA000;
	s15 =	simm.s32 $0xC000;
	s4 =	sand.u32 $0x1, s0  }
0x6: {  	s16 =	simm.s32 $0x100;
	s0 =	stileid.u32;
	s5 =	smul.u32 $0x14000, s4  }
0x7: {  	s17 =	simm.s32 $0xE000;
	s18 =	simm.s32 $0x180;
	s7 =	smul.u32 $0x1400, s0  }
0x8: {  	s19 =	simm.s32 $0x10000;
	s20 =	simm.s32 $0x1;
	s9 =	smul.u32 $0x5000, s0  }
0x9: {  	s21 =	simm.s32 $0x2;
	s22 =	simm.s32 $0x3;
	s10 =	smul.u32 $0x50000, s4  }
0xa: {  	s23 =	simm.s32 $0x4;
	s24 =	simm.s32 $0x0;
	s11 =	smul.u32 $0xA000, s0  }
0xb: {  	[smem:$0x7FF] =	sst s3;
	s29 =	smul.u32 $0xA0000, s4;
	s4 =	ssub.s32 $0x2, s4  }
0xc: {  	_ =	strace $0x8000004A;
	s30 =	sshll.u32 s0, $0x6;
	s12 =	sshrl.u32 s4, $0x1  }
0xd: {  	s5 =	sadd.s32 s7, s5;
	s10 =	sadd.s32 s9, s10;
	s7 =	sadd.s32 s11, s29  }
0xe: {  	s12 =	ssub.s32 s4, s12;
	s11 =	sadd.s32 s11, s2;
	s31 =	sshrl.u32 s9, $0x3  }
0xf: {  	s5 =	sadd.s32 s5, s6;
	s10 =	sshrl.u32 s10, $0x3;
	s7 =	sshrl.u32 s7, $0x3  }
0x10: {  	s9 =	smax.u32 s12, $0x1;
	s12 =	simm.s32 $0x5000;
	s10 =	sadd.s32 s10, s6  }
0x11: {  	s13 =	sadd.s32 s7, s6;
	s4 =	sadd.s32 $0x7F400, s5;
	s5 =	sor.u32 $0x1C05, s30  }
0x12: {  	s7 =	sadd.s32 s8, s31;
	s6 =	sadd.s32 $0x7400, s10;
	s8 =	sadd.s32 $0xBB400, s13  }
0x13: {  	s10 =	sshrl.u32 s11, $0x3;
	s11 =	simm.s32 $0x5;
	s13 =	simm.s32 $0x80  }
.LBB2_1:
0x14: {  	[spmem:s10], [sflag:s5] =	dma.local [hbm:s4], $0x1400  }
0x15: {  	_ =	swait.ge [sflag:s11], $0x1400  }
0x16: {  	[sflag:s11] =	ssyncset.done $0x0  }
0x17: {  	[sflag:s11] =	ssyncadd.s32 $0xFFFFEC00  }
0x18: {  	[tilespmem:s3], [sflag:$0x5] =	stream.linear.gather [hbm4b:s6+s3], $0x5000, $0x38;
	[tilespmem:$0x1C000] =	vst v63  }
0x19: {  	_ =	swait.ge [sflag:s11], $0x5000  }
0x1a: {  	[sflag:s11] =	ssyncset.done $0x0  }
0x1b: {  	[sflag:s11] =	ssyncadd.s32 $0xFFFFB000  }
0x1c: {  	[tilespmem:s12], [sflag:$0x5] =	stream.linear.gather [hbm4b:s7+s3], $0x5000, $0x38;
	[tilespmem:$0x1C000] =	vst v63  }
0x1d: {  	_ =	swait.ge [sflag:s11], $0x5000  }
0x1e: {  	[sflag:s11] =	ssyncset.done $0x0  }
0x1f: {  	[sflag:s11] =	ssyncadd.s32 $0xFFFFB000  }
0x20: {  	[bflag:$0x0] =	sbarrier.arrive $0xFFFF  }
0x21: {  	[tilespmem:s14], [sflag:$0x1] =	stream.indirect.gather [spmem:s2], $0x40, s3, s13, $0xb8;
	[tilespmem:$0x1C000] =	vst v63  }
0x22: {  	_ = 	snop  }
0x23: {  	[tilespmem:s15], [sflag:$0x2] =	stream.indirect.gather [spmem:s2], $0x40, s13, s13, $0xb8;
	[tilespmem:$0x1C000] =	vst v63  }
0x24: {  	_ = 	snop  }
0x25: {  	[tilespmem:s17], [sflag:$0x3] =	stream.indirect.gather [spmem:s2], $0x40, s16, s13, $0xb8;
	[tilespmem:$0x1C000] =	vst v63  }
0x26: {  	_ = 	snop  }
0x27: {  	[tilespmem:s19], [sflag:$0x4] =	stream.indirect.gather [spmem:s2], $0x40, s18, s13, $0xb8;
	[tilespmem:$0x1C000] =	vst v63  }
0x28: {  	_ =	swait.ge [sflag:s20], $0x2000  }
0x29: {  	[sflag:s20] =	ssyncset.done $0x0  }
0x2a: {  	s25 =	simm.s32 $0x200;
	[sflag:s20] =	ssyncadd.s32 $0xFFFFE000  }
0x2b: {  	[tilespmem:s14], [sflag:$0x1] =	stream.indirect.gather [spmem:s2], $0x40, s25, s13, $0xb8;
	[tilespmem:$0x1C000] =	vst v63  }
0x2c: {  	_ =	swait.ge [sflag:s21], $0x2000  }
0x2d: {  	[sflag:s21] =	ssyncset.done $0x0  }
0x2e: {  	s30 =	simm.s32 $0x280;
	[sflag:s21] =	ssyncadd.s32 $0xFFFFE000  }
0x2f: {  	[tilespmem:s15], [sflag:$0x2] =	stream.indirect.gather [spmem:s2], $0x40, s30, s13, $0xb8;
	[tilespmem:$0x1C000] =	vst v63  }
0x30: {  	_ =	swait.ge [sflag:s22], $0x2000  }
0x31: {  	[sflag:s22] =	ssyncset.done $0x0  }
0x32: {  	s31 =	simm.s32 $0x300;
	[sflag:s22] =	ssyncadd.s32 $0xFFFFE000  }
0x33: {  	[tilespmem:s17], [sflag:$0x3] =	stream.indirect.gather [spmem:s2], $0x40, s31, s13, $0xb8;
	[tilespmem:$0x1C000] =	vst v63  }
0x34: {  	_ =	swait.ge [sflag:s23], $0x2000  }
0x35: {  	[sflag:s23] =	ssyncset.done $0x0  }
0x36: {  	s26 =	simm.s32 $0x380;
	s25 =	simm.s32 $0xFFFED000;
	[sflag:s23] =	ssyncadd.s32 $0xFFFFE000  }
.LBB2_2:
0x37: {  	[tilespmem:s19], [sflag:$0x4] =	stream.indirect.gather [spmem:s2], $0x40, s26, s13, $0xb8;
	[tilespmem:$0x1C000] =	vst v63  }
0x38: {  	s26 =	smov.u32 s25  }
0x39: {  	p0 =	sne.s32 s25, $0xFFFFF800;
	s25 =	sadd.s32 $0x800, s25;
	_ =	swait.ge [sflag:s20], $0x2000  }
0x3a: {  	s26 =	sshra.s32 s26, $0x2;
	[sflag:s20] =	ssyncset.done $0x0  }
0x3b: {  	s28 =	sadd.s32 $0x5000, s26;
	[sflag:s20] =	ssyncadd.s32 $0xFFFFE000  }
0x3c: {  	[tilespmem:s14], [sflag:$0x1] =	stream.indirect.gather [spmem:s2], $0x40, s28, s13, $0xb8;
	[tilespmem:$0x1C000] =	vst v63  }
0x3d: {  	_ =	swait.ge [sflag:s21], $0x2000  }
0x3e: {  	[sflag:s21] =	ssyncset.done $0x0  }
0x3f: {  	s28 =	sadd.s32 $0x5080, s26;
	[sflag:s21] =	ssyncadd.s32 $0xFFFFE000  }
0x40: {  	[tilespmem:s15], [sflag:$0x2] =	stream.indirect.gather [spmem:s2], $0x40, s28, s13, $0xb8;
	[tilespmem:$0x1C000] =	vst v63  }
0x41: {  	_ =	swait.ge [sflag:s22], $0x2000  }
0x42: {  	[sflag:s22] =	ssyncset.done $0x0  }
.Ltmp0:
0x43: {  	s28 =	sadd.s32 $0x5100, s26;
	[sflag:s22] =	ssyncadd.s32 $0xFFFFE000;
	(pc) =	sbr.rel @p0 .LBB2_2-.Ltmp0, $4  }
0x44: {  	[tilespmem:s17], [sflag:$0x3] =	stream.indirect.gather [spmem:s2], $0x40, s28, s13, $0xb8;
	[tilespmem:$0x1C000] =	vst v63  }
0x45: {  	_ =	swait.ge [sflag:s23], $0x2000  }
0x46: {  	[sflag:s23] =	ssyncset.done $0x0  }
0x47: {  	s26 =	sadd.s32 $0x5180, s26;
	[sflag:s23] =	ssyncadd.s32 $0xFFFFE000  }
0x48: {  	[tilespmem:s19], [sflag:$0x4] =	stream.indirect.gather [spmem:s2], $0x40, s26, s13, $0xb8;
	[tilespmem:$0x1C000] =	vst v63  }
0x49: {  	_ =	swait.ge [sflag:s20], $0x2000  }
0x4a: {  	[sflag:s20] =	ssyncset.done $0x0  }
0x4b: {  	[sflag:s20] =	ssyncadd.s32 $0xFFFFE000  }
0x4c: {  	_ =	swait.ge [sflag:s21], $0x2000  }
0x4d: {  	[sflag:s21] =	ssyncset.done $0x0  }
0x4e: {  	[sflag:s21] =	ssyncadd.s32 $0xFFFFE000  }
0x4f: {  	_ =	swait.ge [sflag:s22], $0x2000  }
0x50: {  	[sflag:s22] =	ssyncset.done $0x0  }
0x51: {  	[sflag:s22] =	ssyncadd.s32 $0xFFFFE000  }
0x52: {  	_ =	swait.ge [sflag:s23], $0x2000  }
0x53: {  	s24 =	sadd.s32 $0x1, s24;
	[sflag:s23] =	ssyncset.done $0x0  }
0x54: {  	p0 =	sne.s32 s24, s9;
	[sflag:s23] =	ssyncadd.s32 $0xFFFFE000  }
.Ltmp1:
0x55: {  	[bflag:$0x0] =	sbarrier.arrive $0xFFFF;
	(pc) =	sbr.rel @p0 .LBB2_1-.Ltmp1, $4  }
0x56: {  	[hbm:s8], [sflag:s5] =	dma.local [spmem:s10], $0x1400  }
0x57: {  	_ =	swait.ge [sflag:s11], $0x1400  }
0x58: {  	[sflag:s11] =	ssyncset.done $0x0  }
0x59: {  	[sflag:s11] =	ssyncadd.s32 $0xFFFFEC00  }
0x5a: {  	_ =	sfence.sel $0x180000  }
0x5b: {  	[bflag:$0x0] =	sbarrier.arrive $0xFFFF  }
0x5c: {  	p0 =	sne.s32 s0, $0x0;
	_ =	strace $0x9000004A  }
0x5d: {  	s0 =	sadd.s32 @!p0 $0x100000, s1;
	[bflag:$0x2] =	sbarrier.arrive $0xFFFF  }
0x5e: {  	[sflag:s0] =	ssyncadd.tile.s32 @!p0 $0x1;
	_ =	shalt  }
.Lfunc_end2:
_tile_overlayer_lowered:
.L_overlay_start_2:
0x5f: {  	(tag) =	ssettag $0x2  }
0x60: {  	s0 =	rddreg [dreg:$0x0];
	s2 =	stileid.u32  }
0x61: {  	s1 =	rddreg [dreg:$0x1];
	p0 =	sne.s32 s2, $0x0  }
0x62: {  	s3 =	rddreg [dreg:$0x2];
	[bflag:$0x3] =	sbarrier.arrive $0xFFFF;
	s2 =	simm.s32 @!p0 $0x1C05  }
0x63: {  	[timem:s3], [sflag:s2] =	dma.local @!p0 [hbm:s0], s1  }
0x64: {  	s0 =	simm.s32 @!p0 $0x5  }
0x65: {  	_ =	swait.ge @!p0 [sflag:s0], s1  }
0x66: {  	s1 =	ssub.s32 @!p0 $0x0, s1;
	[sflag:s0] =	ssyncset.done @!p0 $0x0  }
0x67: {  	[sflag:s0] =	ssyncadd.s32 @!p0 s1  }
0x68: {  	[bflag:$0x3] =	sbarrier.arrive $0xFFFF  }
0x69: {  	_ =	shalt  }

// kernel: kernel.15.cloned.1.call-start
scs
__scs_entry_jumppad:
0x0: {  	(pc) =	sbr.rel $0x88, $3  }
0x1: {  	(tag) =	ssettag $0x0;
	lr =	simm.s32 $0x1  }
0x2: {  	[smem:$0x3F99] =	sst lr;
	_ =	strace $0xD0000000  }
0x3: {  	_ = 	snop  }
0x4: {  	_ = 	snop  }
0x5: {  	_ = 	snop  }
0x6: {  	_ = 	snop  }
0x7: {  	_ = 	snop  }
__scs_overlays_trampoline_lowered:
0x8: {  	[smem:$0x3FA8] =	sst s0  }
0x9: {  	[smem:$0x3FA9] =	sst s1  }
0xa: {  	[smem:$0x3FAA] =	sst s2  }
0xb: {  	[smem:$0x3FAB] =	sst s3  }
0xc: {  	[smem:$0x3FAC] =	sst s4  }
0xd: {  	[smem:$0x3FAD] =	sst s5  }
0xe: {  	[smem:$0x3FAE] =	sst s6  }
0xf: {  	[smem:$0x3FAF] =	sst s7  }
0x10: {  	[smem:$0x3FB0] =	sst s8  }
0x11: {  	[smem:$0x3FB1] =	sst s9;
	s0 =	simm.s32 @!p0 $0x0  }
0x12: {  	s1 =	sld [smem:$0x3F97];
	s0 =	simm.s32 @p0 $0x1  }
0x13: {  	[smem:$0x3FB2] =	sst s0;
	s0 =	simm.s32 @!p1 $0x0  }
0x14: {  	s2 =	sld [smem:$0x3F96];
	s0 =	simm.s32 @p1 $0x1  }
0x15: {  	[smem:$0x3FB3] =	sst s0;
	s0 =	simm.s32 @!p2 $0x0  }
0x16: {  	s3 =	sld [smem:$0x3FDB];
	s0 =	simm.s32 @p2 $0x1  }
0x17: {  	s4 =	simm.s32 $0x1BF5;
	[smem:$0x3FB5] =	sst s0  }
0x18: {  	s0 =	sld [smem:$0x3F98];
	_ =	swait.ge [sflag:s4], $0x0  }
0x19: {  	s7 =	sld [smem:$0x3F99]  }
0x1a: {  	s8 =	sadd.s32 $0xFFFFE003, lr  }
0x1b: {  	s9 =	sadd.s32 $0xFFFFFEF7, lr;
	s5 =	simm.s32 $0xFFFFFFFF;
	p2 =	slt.u32 s8, $0xFFFFF086  }
0x1c: {  	p1 =	slt.u32 s9, $0xF7A;
	s5 =	simm.s32 @!p2 $0x0  }
0x1d: {  	s5 =	simm.s32 @p1 $0x1;
	p0 =	seq.s32 s7, s2  }
0x1e: {  	s7 =	smul.u32 @!p0 $0xF7A, s2;
	p2 =	seq.s32 @!p0 s5, $0x0  }
0x1f: {  	s9 =	smul.u32 $0xF7A, s1;
	s8 =	simm.s32 @!p0 $0x1BF5;
	p2 =	por !p2, p0  }
0x20: {  	[sflag:s8] =	ssyncset.s32 @!p0 $0xFFFFF086;
	s6 =	sadd.s32 @!p0 s3, s7;
	s7 =	simm.s32 @!p0 $0x108  }
0x21: {  	s3 =	sadd.s32 s3, s9;
	s6 =	sadd.s32 @!p0 $0x88, s6;
	s7 =	simm.s32 @p2 $0x1082  }
0x22: {  	[simem:s7], [sflag:s8] =	dma.local @!p0 [hbm:s6], $0xF7A  }
0x23: {  	s9 =	sor.u32 $0xD0000000, s2;
	s6 =	simm.s32 $0x108;
	_ =	swait.ge @!p0 [sflag:s8], $0x0  }
0x24: {  	s3 =	sadd.s32 $0x88, s3;
	s6 =	simm.s32 @!p1 $0x1082;
	[sflag:s4] =	ssyncset.s32 $0xFFFFF086  }
0x25: {  	[simem:s6], [sflag:s4] =	dma.local [hbm:s3], $0xF7A  }
0x26: {  	[smem:$0x3F99] =	sst s1;
	(tag) =	ssettag s2;
	_ =	strace s9  }
0x27: {  	s1 =	sld [smem:$0x3FA9]  }
0x28: {  	s2 =	sld [smem:$0x3FAA]  }
0x29: {  	s4 =	sld [smem:$0x3FAC]  }
0x2a: {  	p0 =	seq.s32 s5, $0x0;
	s5 =	sld [smem:$0x3FAD]  }
0x2b: {  	s6 =	sld [smem:$0x3FAE]  }
0x2c: {  	s7 =	sld [smem:$0x3FAF]  }
0x2d: {  	s3 =	simm.s32 $0x108;
	s8 =	sld [smem:$0x3FB0]  }
0x2e: {  	s3 =	simm.s32 @!p0 $0x1082;
	s9 =	sld [smem:$0x3FB1]  }
0x2f: {  	lr =	sadd.s32 s0, s3;
	s0 =	sld [smem:$0x3FA8]  }
0x30: {  	s3 =	sld [smem:$0x3FAB]  }
0x31: {  	[smem:$0x3FB4] =	sst s10  }
0x32: {  	s10 =	sld [smem:$0x3FB2];
	_ =	sdelay $0x3  }
0x33: {  	p0 =	seq.s32 s10, $0x1;
	s10 =	sld [smem:$0x3FB4];
	_ =	sdelay $0x3  }
0x34: {  	[smem:$0x3FB4] =	sst s10  }
0x35: {  	s10 =	sld [smem:$0x3FB3];
	_ =	sdelay $0x3  }
0x36: {  	p1 =	seq.s32 s10, $0x1;
	s10 =	sld [smem:$0x3FB4];
	_ =	sdelay $0x3  }
0x37: {  	[smem:$0x3FB4] =	sst s10  }
0x38: {  	s10 =	sld [smem:$0x3FB5]  }
0x39: {  	_ = 	snop;
	(pc) =	sbr.ind lr, $3  }
0x3a: {  	_ = 	snop  }
0x3b: {  	_ = 	snop  }
0x3c: {  	p2 =	seq.s32 s10, $0x1;
	s10 =	sld [smem:$0x3FB4]  }
0x3d: {  	_ =	shalt  }
0x3e: {  	_ =	shalt  }
0x3f: {  	_ =	shalt  }
0x40: {  	_ =	shalt  }
0x41: {  	_ =	shalt  }
0x42: {  	_ =	shalt  }
0x43: {  	_ =	shalt  }
0x44: {  	_ =	shalt  }
0x45: {  	_ =	shalt  }
0x46: {  	_ =	shalt  }
0x47: {  	_ =	shalt  }
0x48: {  	_ =	shalt  }
0x49: {  	_ =	shalt  }
0x4a: {  	_ =	shalt  }
0x4b: {  	_ =	shalt  }
0x4c: {  	_ =	shalt  }
0x4d: {  	_ =	shalt  }
0x4e: {  	_ =	shalt  }
0x4f: {  	_ =	shalt  }
0x50: {  	_ =	shalt  }
0x51: {  	_ =	shalt  }
0x52: {  	_ =	shalt  }
0x53: {  	_ =	shalt  }
0x54: {  	_ =	shalt  }
0x55: {  	_ =	shalt  }
0x56: {  	_ =	shalt  }
0x57: {  	_ =	shalt  }
0x58: {  	_ =	shalt  }
0x59: {  	_ =	shalt  }
0x5a: {  	_ =	shalt  }
0x5b: {  	_ =	shalt  }
0x5c: {  	_ =	shalt  }
0x5d: {  	_ =	shalt  }
0x5e: {  	_ =	shalt  }
0x5f: {  	_ =	shalt  }
0x60: {  	_ =	shalt  }
0x61: {  	_ =	shalt  }
0x62: {  	_ =	shalt  }
0x63: {  	_ =	shalt  }
0x64: {  	_ =	shalt  }
0x65: {  	_ =	shalt  }
0x66: {  	_ =	shalt  }
0x67: {  	_ =	shalt  }
0x68: {  	_ =	shalt  }
0x69: {  	_ =	shalt  }
0x6a: {  	_ =	shalt  }
0x6b: {  	_ =	shalt  }
0x6c: {  	_ =	shalt  }
0x6d: {  	_ =	shalt  }
0x6e: {  	_ =	shalt  }
0x6f: {  	_ =	shalt  }
0x70: {  	_ =	shalt  }
0x71: {  	_ =	shalt  }
0x72: {  	_ =	shalt  }
0x73: {  	_ =	shalt  }
0x74: {  	_ =	shalt  }
0x75: {  	_ =	shalt  }
0x76: {  	_ =	shalt  }
0x77: {  	_ =	shalt  }
0x78: {  	_ =	shalt  }
0x79: {  	_ =	shalt  }
0x7a: {  	_ =	shalt  }
0x7b: {  	_ =	shalt  }
0x7c: {  	_ =	shalt  }
0x7d: {  	_ =	shalt  }
0x7e: {  	_ =	shalt  }
0x7f: {  	_ =	shalt  }
0x80: {  	_ =	shalt  }
0x81: {  	_ =	shalt  }
0x82: {  	_ =	shalt  }
0x83: {  	_ =	shalt  }
0x84: {  	_ =	shalt  }
0x85: {  	_ =	shalt  }
0x86: {  	_ =	shalt  }
0x87: {  	_ =	shalt  }
.Lfunc_end0:
.L_simem_size_0:
called_computation.2_lowered:
.L_overlay_start_0:
0x88: {  	s2 =	sld [smem:$0x3FD9]  }
0x89: {  	s3 =	sld [smem:$0x3FFE];
	_ =	sdelay $0x1  }
0x8a: {  	s1 =	srdreg.scid  }
0x8b: {  	s0 =	sand.u32 $0x1, s1  }
0x8c: {  	s14 =	sshll.u32 s0, $0xA;
	s2 =	sadd.s32 s3, s2  }
0x8d: {  	s2 =	sadd.s32 s2, s14  }
0x8e: {  	[smem:$0x3FC0] =	sst s2  }
0x8f: {  	_ = 	snop  }
0x90: {  	s2 =	sld [smem:$0x3FD0];
	_ =	sdelay $0x2  }
0x91: {  	s15 =	simm.s32 $0xA;
	s4 =	simm.s32 $0x10  }
0x92: {  	[smem:s4], [sflag:s15] =	dma.local [hbm:s2], $0x1  }
0x93: {  	_ =	swait.eq [sflag:s15], $0x1  }
0x94: {  	[sflag:s15] =	ssyncset.done $0x0  }
0x95: {  	[sflag:s15] =	ssyncadd.s32 $0xFFFFFFFF  }
0x96: {  	s16 =	sld [smem:$0x11];
	(tm) =	ssettm $0x1  }
0x97: {  	s17 =	sld [smem:$0x3FFB];
	_ =	sdelay $0x3  }
0x98: {  	_ =	strace s17  }
0x99: {  	s3 =	sld [smem:$0x3FFC];
	_ =	sdelay $0x3  }
0x9a: {  	_ =	strace s3  }
0x9b: {  	s3 =	sld [smem:$0x3FFD];
	_ =	sdelay $0x3  }
0x9c: {  	_ =	strace s3  }
0x9d: {  	_ =	strace $0x8FFFFFFF  }
0x9e: {  	s18 =	sld [smem:$0x3FDB];
	_ =	sdelay $0x1  }
0x9f: {  	s19 =	simm.s32 $_scs_section_size  }
0xa0: {  	s5 =	simm.s32 $_size__tile_overlayer_lowered;
	s6 =	simm.s32 $_tile_overlayer_lowered  }
0xa1: {  	s22 =	simm.s32 $0x1BFF;
	s21 =	sshll.u32 s6, $0x1;
	s3 =	sadd.s32 s19, s18  }
0xa2: {  	s7 =	simm.s32 $0x0;
	s20 =	sshll.u32 s5, $0x1;
	s5 =	sadd.s32 s21, s3  }
0xa3: {  	[timem:s7], [sflag:s22] =	dma.local [hbm:s5], s20  }
0xa4: {  	_ =	swait.ge [sflag:s22], s20  }
0xa5: {  	s4 =	ssub.s32 $0x0, s20;
	[sflag:s22] =	ssyncset.done $0x0  }
0xa6: {  	[sflag:s22] =	ssyncadd.s32 s4;
	_ =	sdelay $0x1  }
0xa7: {  	s23 =	simm.s32 $0x1B8B  }
0xa8: {  	_ =	swait.ge [sflag:s23], $0x1  }
0xa9: {  	[sflag:s23] =	ssyncset.done $0x0  }
0xaa: {  	s25 =	simm.s32 $0x1B8E;
	s24 =	sld [smem:$0x3FFE];
	[sflag:s23] =	ssyncadd.s32 $0xFFFFFFFF  }
0xab: {  	s26 =	simm.s32 $execute0_lowered;
	[smem:$0x3FD2] =	sst s25  }
0xac: {  	s5 =	sshll.u32 s26, $0x1;
	_ =	strace $0x8000004C;
	[dreg:$0x1] =	wrdreg $0xFFFFFFFF  }
0xad: {  	s28 =	simm.s32 $_size_execute0_lowered;
	s3 =	sadd.s32 s3, s5;
	[dreg:$0x0] =	wrdreg $0x0  }
0xae: {  	s5 =	sshll.u32 s28, $0x1;
	[dreg:$0x2] =	wrdreg s3  }
0xaf: {  	[dreg:$0x3] =	wrdreg s5  }
0xb0: {  	[dreg:$0x4] =	wrdreg $0xC0  }
0xb1: {  	_ =	task [dreg:s7], $0x5FFFF  }
0xb2: {  	[dreg:$0x1] =	wrdreg $0xFFFFFFFF  }
0xb3: {  	[dreg:$0x0] =	wrdreg $0x60  }
0xb4: {  	[dreg:$0x2] =	wrdreg s24  }
0xb5: {  	[dreg:$0x3] =	wrdreg s16  }
0xb6: {  	[dreg:$0x4] =	wrdreg $0xE0000  }
0xb7: {  	[dreg:$0x5] =	wrdreg $0x9  }
0xb8: {  	_ =	task.clear_ibuf [dreg:s7], $0x6FFFF;
	_ =	strace $0x9000004C  }
0xb9: {  	s29 =	simm.s32 $0x9;
	_ =	strace $0x8000004E  }
0xba: {  	_ =	swait.ge [sflag:s29], $0x1  }
0xbb: {  	[sflag:s29] =	ssyncadd.s32 $0xFFFFFFFF  }
0xbc: {  	_ =	strace $0x9000004E  }
0xbd: {  	_ =	sfence  }
0xbe: {  	s30 =	sld [smem:$0x0];
	_ =	sdelay $0x2  }
0xbf: {  	s31 =	sshll.u32 s1, $0xD;
	s1 =	sshrl.u32 s1, $0x2  }
0xc0: {  	s3 =	sand.u32 $0x4000, s31;
	s1 =	sadd.s32 s1, s30  }
0xc1: {  	s0 =	sor.u32 s3, s0;
	s1 =	sshll.u32 s1, $0x11  }
0xc2: {  	s0 =	sor.u32 s1, s0  }
0xc3: {  	s0 =	sadd.s32 $0x8F2B, s0  }
0xc4: {  	[sflag:s0] =	ssyncadd.remote.s32 $0x1  }
0xc5: {  	_ =	sfence.sel $0xFFFF  }
0xc6: {  	[dreg:$0x0] =	wrdreg $0xFFFFFFFF;
	(pc) =	sbr.abs _section_cstart, $3  }
0xc7: {  	[dreg:$0x1] =	wrdreg $0xFFFFFFFF  }
0xc8: {  	_ =	task.clear_ibuf [dreg:s7], $0x2FFFF;
	_ =	strace $0x9FFFFFFF  }
0xc9: {  	(tm) =	ssettm $0x7FFFFFFF  }
tec
execute0_lowered:
.L_overlay_start_1:
0x0: {  	(tag) =	ssettag $0x1  }
0x1: {  	s4 =	rddreg [dreg:$0x0]  }
0x2: {  	s7 =	rddreg [dreg:$0x1]  }
0x3: {  	s0 =	srdreg.scid;
	s2 =	rddreg [dreg:$0x2]  }
0x4: {  	s1 =	rddreg [dreg:$0x3];
	s3 =	simm.s32 $0x0;
	s12 =	simm.s32 $0x5000  }
0x5: {  	s13 =	simm.s32 $0x80;
	s14 =	simm.s32 $0xA000;
	s15 =	simm.s32 $0xB000  }
0x6: {  	s16 =	simm.s32 $0x100;
	s17 =	simm.s32 $0xC000;
	s18 =	simm.s32 $0x180  }
0x7: {  	s19 =	simm.s32 $0xD000;
	s20 =	simm.s32 $0x1;
	s5 =	sand.u32 $0x1, s0  }
0x8: {  	s21 =	simm.s32 $0x2;
	s0 =	stileid.u32;
	s6 =	smul.u32 $0xA000, s5  }
0x9: {  	s22 =	simm.s32 $0x3;
	s23 =	simm.s32 $0x4;
	s8 =	smul.u32 $0x5000, s0  }
0xa: {  	s24 =	simm.s32 $0x0;
	[smem:$0x7FF] =	sst s3;
	s9 =	smul.u32 $0x50000, s5  }
0xb: {  	s10 =	smul.u32 $0xA00, s0;
	_ =	strace $0x8000004D;
	s5 =	ssub.s32 $0x2, s5  }
0xc: {  	s31 =	sshll.u32 s0, $0x6;
	s30 =	sshrl.u32 s5, $0x1;
	s9 =	sadd.s32 s8, s9  }
0xd: {  	s6 =	sadd.s32 s10, s6;
	s10 =	ssub.s32 s5, s30;
	s11 =	sadd.s32 s8, s2  }
0xe: {  	s5 =	sor.u32 $0x1C05, s31;
	s8 =	sshrl.u32 s8, $0x3;
	s9 =	sshrl.u32 s9, $0x3  }
0xf: {  	s6 =	sadd.s32 s6, s4;
	s7 =	sadd.s32 s7, s8;
	s9 =	sadd.s32 s9, s4  }
0x10: {  	s4 =	sadd.s32 $0x2200, s6;
	s6 =	sadd.s32 $0x1B400, s9;
	s8 =	sadd.s32 $0x7F400, s9  }
0x11: {  	s9 =	smax.u32 s10, $0x1;
	s10 =	sshrl.u32 s11, $0x3;
	s11 =	simm.s32 $0x5  }
.LBB2_1:
0x12: {  	[spmem:s10], [sflag:s5] =	dma.local [hbm:s4], $0xA00  }
0x13: {  	_ =	swait.ge [sflag:s11], $0xA00  }
0x14: {  	[sflag:s11] =	ssyncset.done $0x0  }
0x15: {  	[sflag:s11] =	ssyncadd.s32 $0xFFFFF600  }
0x16: {  	[tilespmem:s3], [sflag:$0x5] =	stream.linear.gather [hbm4b:s6+s3], $0x5000, $0x38;
	[tilespmem:$0x13000] =	vst v63  }
0x17: {  	_ =	swait.ge [sflag:s11], $0x5000  }
0x18: {  	[sflag:s11] =	ssyncset.done $0x0  }
0x19: {  	[sflag:s11] =	ssyncadd.s32 $0xFFFFB000  }
0x1a: {  	[tilespmem:s12], [sflag:$0x5] =	stream.linear.gather [hbm4b:s7+s3], $0x5000, $0x38;
	[tilespmem:$0x13000] =	vst v63  }
0x1b: {  	_ =	swait.ge [sflag:s11], $0x5000  }
0x1c: {  	[sflag:s11] =	ssyncset.done $0x0  }
0x1d: {  	[sflag:s11] =	ssyncadd.s32 $0xFFFFB000  }
0x1e: {  	[bflag:$0x0] =	sbarrier.arrive $0xFFFF  }
0x1f: {  	[tilespmem:s14], [sflag:$0x1] =	stream.indirect.gather [spmem:s2], $0x20, s3, s13, $0xb8;
	[tilespmem:$0x13000] =	vst v63  }
0x20: {  	_ = 	snop  }
0x21: {  	[tilespmem:s15], [sflag:$0x2] =	stream.indirect.gather [spmem:s2], $0x20, s13, s13, $0xb8;
	[tilespmem:$0x13000] =	vst v63  }
0x22: {  	_ = 	snop  }
0x23: {  	[tilespmem:s17], [sflag:$0x3] =	stream.indirect.gather [spmem:s2], $0x20, s16, s13, $0xb8;
	[tilespmem:$0x13000] =	vst v63  }
0x24: {  	_ = 	snop  }
0x25: {  	[tilespmem:s19], [sflag:$0x4] =	stream.indirect.gather [spmem:s2], $0x20, s18, s13, $0xb8;
	[tilespmem:$0x13000] =	vst v63  }
0x26: {  	_ =	swait.ge [sflag:s20], $0x1000  }
0x27: {  	[sflag:s20] =	ssyncset.done $0x0  }
0x28: {  	s25 =	simm.s32 $0x200;
	[sflag:s20] =	ssyncadd.s32 $0xFFFFF000  }
0x29: {  	[tilespmem:s14], [sflag:$0x1] =	stream.indirect.gather [spmem:s2], $0x20, s25, s13, $0xb8;
	[tilespmem:$0x13000] =	vst v63  }
0x2a: {  	_ =	swait.ge [sflag:s21], $0x1000  }
0x2b: {  	[sflag:s21] =	ssyncset.done $0x0  }
0x2c: {  	s30 =	simm.s32 $0x280;
	[sflag:s21] =	ssyncadd.s32 $0xFFFFF000  }
0x2d: {  	[tilespmem:s15], [sflag:$0x2] =	stream.indirect.gather [spmem:s2], $0x20, s30, s13, $0xb8;
	[tilespmem:$0x13000] =	vst v63  }
0x2e: {  	_ =	swait.ge [sflag:s22], $0x1000  }
0x2f: {  	[sflag:s22] =	ssyncset.done $0x0  }
0x30: {  	s31 =	simm.s32 $0x300;
	[sflag:s22] =	ssyncadd.s32 $0xFFFFF000  }
0x31: {  	[tilespmem:s17], [sflag:$0x3] =	stream.indirect.gather [spmem:s2], $0x20, s31, s13, $0xb8;
	[tilespmem:$0x13000] =	vst v63  }
0x32: {  	_ =	swait.ge [sflag:s23], $0x1000  }
0x33: {  	[sflag:s23] =	ssyncset.done $0x0  }
0x34: {  	s26 =	simm.s32 $0x380;
	s25 =	simm.s32 $0xFFFED000;
	[sflag:s23] =	ssyncadd.s32 $0xFFFFF000  }
.LBB2_2:
0x35: {  	[tilespmem:s19], [sflag:$0x4] =	stream.indirect.gather [spmem:s2], $0x20, s26, s13, $0xb8;
	[tilespmem:$0x13000] =	vst v63  }
0x36: {  	s26 =	smov.u32 s25  }
0x37: {  	p0 =	sne.s32 s25, $0xFFFFF800;
	s25 =	sadd.s32 $0x800, s25;
	_ =	swait.ge [sflag:s20], $0x1000  }
0x38: {  	s26 =	sshra.s32 s26, $0x2;
	[sflag:s20] =	ssyncset.done $0x0  }
0x39: {  	s28 =	sadd.s32 $0x5000, s26;
	[sflag:s20] =	ssyncadd.s32 $0xFFFFF000  }
0x3a: {  	[tilespmem:s14], [sflag:$0x1] =	stream.indirect.gather [spmem:s2], $0x20, s28, s13, $0xb8;
	[tilespmem:$0x13000] =	vst v63  }
0x3b: {  	_ =	swait.ge [sflag:s21], $0x1000  }
0x3c: {  	[sflag:s21] =	ssyncset.done $0x0  }
0x3d: {  	s28 =	sadd.s32 $0x5080, s26;
	[sflag:s21] =	ssyncadd.s32 $0xFFFFF000  }
0x3e: {  	[tilespmem:s15], [sflag:$0x2] =	stream.indirect.gather [spmem:s2], $0x20, s28, s13, $0xb8;
	[tilespmem:$0x13000] =	vst v63  }
0x3f: {  	_ =	swait.ge [sflag:s22], $0x1000  }
0x40: {  	[sflag:s22] =	ssyncset.done $0x0  }
.Ltmp0:
0x41: {  	s28 =	sadd.s32 $0x5100, s26;
	[sflag:s22] =	ssyncadd.s32 $0xFFFFF000;
	(pc) =	sbr.rel @p0 .LBB2_2-.Ltmp0, $4  }
0x42: {  	[tilespmem:s17], [sflag:$0x3] =	stream.indirect.gather [spmem:s2], $0x20, s28, s13, $0xb8;
	[tilespmem:$0x13000] =	vst v63  }
0x43: {  	_ =	swait.ge [sflag:s23], $0x1000  }
0x44: {  	[sflag:s23] =	ssyncset.done $0x0  }
0x45: {  	s26 =	sadd.s32 $0x5180, s26;
	[sflag:s23] =	ssyncadd.s32 $0xFFFFF000  }
0x46: {  	[tilespmem:s19], [sflag:$0x4] =	stream.indirect.gather [spmem:s2], $0x20, s26, s13, $0xb8;
	[tilespmem:$0x13000] =	vst v63  }
0x47: {  	_ =	swait.ge [sflag:s20], $0x1000  }
0x48: {  	[sflag:s20] =	ssyncset.done $0x0  }
0x49: {  	[sflag:s20] =	ssyncadd.s32 $0xFFFFF000  }
0x4a: {  	_ =	swait.ge [sflag:s21], $0x1000  }
0x4b: {  	[sflag:s21] =	ssyncset.done $0x0  }
0x4c: {  	[sflag:s21] =	ssyncadd.s32 $0xFFFFF000  }
0x4d: {  	_ =	swait.ge [sflag:s22], $0x1000  }
0x4e: {  	[sflag:s22] =	ssyncset.done $0x0  }
0x4f: {  	[sflag:s22] =	ssyncadd.s32 $0xFFFFF000  }
0x50: {  	_ =	swait.ge [sflag:s23], $0x1000  }
0x51: {  	s24 =	sadd.s32 $0x1, s24;
	[sflag:s23] =	ssyncset.done $0x0  }
0x52: {  	p0 =	sne.s32 s24, s9;
	[sflag:s23] =	ssyncadd.s32 $0xFFFFF000  }
.Ltmp1:
0x53: {  	[bflag:$0x0] =	sbarrier.arrive $0xFFFF;
	(pc) =	sbr.rel @p0 .LBB2_1-.Ltmp1, $4  }
0x54: {  	[hbm:s8], [sflag:s5] =	dma.local [spmem:s10], $0xA00  }
0x55: {  	_ =	swait.ge [sflag:s11], $0xA00  }
0x56: {  	[sflag:s11] =	ssyncset.done $0x0  }
0x57: {  	[sflag:s11] =	ssyncadd.s32 $0xFFFFF600  }
0x58: {  	_ =	sfence.sel $0x180000  }
0x59: {  	[bflag:$0x0] =	sbarrier.arrive $0xFFFF  }
0x5a: {  	p0 =	sne.s32 s0, $0x0;
	_ =	strace $0x9000004D  }
0x5b: {  	s0 =	sadd.s32 @!p0 $0x100000, s1;
	[bflag:$0x2] =	sbarrier.arrive $0xFFFF  }
0x5c: {  	[sflag:s0] =	ssyncadd.tile.s32 @!p0 $0x1;
	_ =	shalt  }
.Lfunc_end2:
_tile_overlayer_lowered:
.L_overlay_start_2:
0x5d: {  	(tag) =	ssettag $0x2  }
0x5e: {  	s0 =	rddreg [dreg:$0x0];
	s2 =	stileid.u32  }
0x5f: {  	s1 =	rddreg [dreg:$0x1];
	p0 =	sne.s32 s2, $0x0  }
0x60: {  	s3 =	rddreg [dreg:$0x2];
	[bflag:$0x3] =	sbarrier.arrive $0xFFFF;
	s2 =	simm.s32 @!p0 $0x1C05  }
0x61: {  	[timem:s3], [sflag:s2] =	dma.local @!p0 [hbm:s0], s1  }
0x62: {  	s0 =	simm.s32 @!p0 $0x5  }
0x63: {  	_ =	swait.ge @!p0 [sflag:s0], s1  }
0x64: {  	s1 =	ssub.s32 @!p0 $0x0, s1;
	[sflag:s0] =	ssyncset.done @!p0 $0x0  }
0x65: {  	[sflag:s0] =	ssyncadd.s32 @!p0 s1  }
0x66: {  	[bflag:$0x3] =	sbarrier.arrive $0xFFFF  }
0x67: {  	_ =	shalt  }

// kernel: kernel.9.cloned.1.call-start
scs
__scs_entry_jumppad:
0x0: {  	(pc) =	sbr.rel $0x88, $3  }
0x1: {  	(tag) =	ssettag $0x0;
	lr =	simm.s32 $0x1  }
0x2: {  	[smem:$0x3F99] =	sst lr;
	_ =	strace $0xD0000000  }
0x3: {  	_ = 	snop  }
0x4: {  	_ = 	snop  }
0x5: {  	_ = 	snop  }
0x6: {  	_ = 	snop  }
0x7: {  	_ = 	snop  }
__scs_overlays_trampoline_lowered:
0x8: {  	[smem:$0x3FA8] =	sst s0  }
0x9: {  	[smem:$0x3FA9] =	sst s1  }
0xa: {  	[smem:$0x3FAA] =	sst s2  }
0xb: {  	[smem:$0x3FAB] =	sst s3  }
0xc: {  	[smem:$0x3FAC] =	sst s4  }
0xd: {  	[smem:$0x3FAD] =	sst s5  }
0xe: {  	[smem:$0x3FAE] =	sst s6  }
0xf: {  	[smem:$0x3FAF] =	sst s7  }
0x10: {  	[smem:$0x3FB0] =	sst s8  }
0x11: {  	[smem:$0x3FB1] =	sst s9;
	s0 =	simm.s32 @!p0 $0x0  }
0x12: {  	s1 =	sld [smem:$0x3F97];
	s0 =	simm.s32 @p0 $0x1  }
0x13: {  	[smem:$0x3FB2] =	sst s0;
	s0 =	simm.s32 @!p1 $0x0  }
0x14: {  	s2 =	sld [smem:$0x3F96];
	s0 =	simm.s32 @p1 $0x1  }
0x15: {  	[smem:$0x3FB3] =	sst s0;
	s0 =	simm.s32 @!p2 $0x0  }
0x16: {  	s3 =	sld [smem:$0x3FDB];
	s0 =	simm.s32 @p2 $0x1  }
0x17: {  	s4 =	simm.s32 $0x1BF5;
	[smem:$0x3FB5] =	sst s0  }
0x18: {  	s0 =	sld [smem:$0x3F98];
	_ =	swait.ge [sflag:s4], $0x0  }
0x19: {  	s7 =	sld [smem:$0x3F99]  }
0x1a: {  	s8 =	sadd.s32 $0xFFFFE003, lr  }
0x1b: {  	s9 =	sadd.s32 $0xFFFFFEF7, lr;
	s5 =	simm.s32 $0xFFFFFFFF;
	p2 =	slt.u32 s8, $0xFFFFF086  }
0x1c: {  	p1 =	slt.u32 s9, $0xF7A;
	s5 =	simm.s32 @!p2 $0x0  }
0x1d: {  	s5 =	simm.s32 @p1 $0x1;
	p0 =	seq.s32 s7, s2  }
0x1e: {  	s7 =	smul.u32 @!p0 $0xF7A, s2;
	p2 =	seq.s32 @!p0 s5, $0x0  }
0x1f: {  	s9 =	smul.u32 $0xF7A, s1;
	s8 =	simm.s32 @!p0 $0x1BF5;
	p2 =	por !p2, p0  }
0x20: {  	[sflag:s8] =	ssyncset.s32 @!p0 $0xFFFFF086;
	s6 =	sadd.s32 @!p0 s3, s7;
	s7 =	simm.s32 @!p0 $0x108  }
0x21: {  	s3 =	sadd.s32 s3, s9;
	s6 =	sadd.s32 @!p0 $0x88, s6;
	s7 =	simm.s32 @p2 $0x1082  }
0x22: {  	[simem:s7], [sflag:s8] =	dma.local @!p0 [hbm:s6], $0xF7A  }
0x23: {  	s9 =	sor.u32 $0xD0000000, s2;
	s6 =	simm.s32 $0x108;
	_ =	swait.ge @!p0 [sflag:s8], $0x0  }
0x24: {  	s3 =	sadd.s32 $0x88, s3;
	s6 =	simm.s32 @!p1 $0x1082;
	[sflag:s4] =	ssyncset.s32 $0xFFFFF086  }
0x25: {  	[simem:s6], [sflag:s4] =	dma.local [hbm:s3], $0xF7A  }
0x26: {  	[smem:$0x3F99] =	sst s1;
	(tag) =	ssettag s2;
	_ =	strace s9  }
0x27: {  	s1 =	sld [smem:$0x3FA9]  }
0x28: {  	s2 =	sld [smem:$0x3FAA]  }
0x29: {  	s4 =	sld [smem:$0x3FAC]  }
0x2a: {  	p0 =	seq.s32 s5, $0x0;
	s5 =	sld [smem:$0x3FAD]  }
0x2b: {  	s6 =	sld [smem:$0x3FAE]  }
0x2c: {  	s7 =	sld [smem:$0x3FAF]  }
0x2d: {  	s3 =	simm.s32 $0x108;
	s8 =	sld [smem:$0x3FB0]  }
0x2e: {  	s3 =	simm.s32 @!p0 $0x1082;
	s9 =	sld [smem:$0x3FB1]  }
0x2f: {  	lr =	sadd.s32 s0, s3;
	s0 =	sld [smem:$0x3FA8]  }
0x30: {  	s3 =	sld [smem:$0x3FAB]  }
0x31: {  	[smem:$0x3FB4] =	sst s10  }
0x32: {  	s10 =	sld [smem:$0x3FB2];
	_ =	sdelay $0x3  }
0x33: {  	p0 =	seq.s32 s10, $0x1;
	s10 =	sld [smem:$0x3FB4];
	_ =	sdelay $0x3  }
0x34: {  	[smem:$0x3FB4] =	sst s10  }
0x35: {  	s10 =	sld [smem:$0x3FB3];
	_ =	sdelay $0x3  }
0x36: {  	p1 =	seq.s32 s10, $0x1;
	s10 =	sld [smem:$0x3FB4];
	_ =	sdelay $0x3  }
0x37: {  	[smem:$0x3FB4] =	sst s10  }
0x38: {  	s10 =	sld [smem:$0x3FB5]  }
0x39: {  	_ = 	snop;
	(pc) =	sbr.ind lr, $3  }
0x3a: {  	_ = 	snop  }
0x3b: {  	_ = 	snop  }
0x3c: {  	p2 =	seq.s32 s10, $0x1;
	s10 =	sld [smem:$0x3FB4]  }
0x3d: {  	_ =	shalt  }
0x3e: {  	_ =	shalt  }
0x3f: {  	_ =	shalt  }
0x40: {  	_ =	shalt  }
0x41: {  	_ =	shalt  }
0x42: {  	_ =	shalt  }
0x43: {  	_ =	shalt  }
0x44: {  	_ =	shalt  }
0x45: {  	_ =	shalt  }
0x46: {  	_ =	shalt  }
0x47: {  	_ =	shalt  }
0x48: {  	_ =	shalt  }
0x49: {  	_ =	shalt  }
0x4a: {  	_ =	shalt  }
0x4b: {  	_ =	shalt  }
0x4c: {  	_ =	shalt  }
0x4d: {  	_ =	shalt  }
0x4e: {  	_ =	shalt  }
0x4f: {  	_ =	shalt  }
0x50: {  	_ =	shalt  }
0x51: {  	_ =	shalt  }
0x52: {  	_ =	shalt  }
0x53: {  	_ =	shalt  }
0x54: {  	_ =	shalt  }
0x55: {  	_ =	shalt  }
0x56: {  	_ =	shalt  }
0x57: {  	_ =	shalt  }
0x58: {  	_ =	shalt  }
0x59: {  	_ =	shalt  }
0x5a: {  	_ =	shalt  }
0x5b: {  	_ =	shalt  }
0x5c: {  	_ =	shalt  }
0x5d: {  	_ =	shalt  }
0x5e: {  	_ =	shalt  }
0x5f: {  	_ =	shalt  }
0x60: {  	_ =	shalt  }
0x61: {  	_ =	shalt  }
0x62: {  	_ =	shalt  }
0x63: {  	_ =	shalt  }
0x64: {  	_ =	shalt  }
0x65: {  	_ =	shalt  }
0x66: {  	_ =	shalt  }
0x67: {  	_ =	shalt  }
0x68: {  	_ =	shalt  }
0x69: {  	_ =	shalt  }
0x6a: {  	_ =	shalt  }
0x6b: {  	_ =	shalt  }
0x6c: {  	_ =	shalt  }
0x6d: {  	_ =	shalt  }
0x6e: {  	_ =	shalt  }
0x6f: {  	_ =	shalt  }
0x70: {  	_ =	shalt  }
0x71: {  	_ =	shalt  }
0x72: {  	_ =	shalt  }
0x73: {  	_ =	shalt  }
0x74: {  	_ =	shalt  }
0x75: {  	_ =	shalt  }
0x76: {  	_ =	shalt  }
0x77: {  	_ =	shalt  }
0x78: {  	_ =	shalt  }
0x79: {  	_ =	shalt  }
0x7a: {  	_ =	shalt  }
0x7b: {  	_ =	shalt  }
0x7c: {  	_ =	shalt  }
0x7d: {  	_ =	shalt  }
0x7e: {  	_ =	shalt  }
0x7f: {  	_ =	shalt  }
0x80: {  	_ =	shalt  }
0x81: {  	_ =	shalt  }
0x82: {  	_ =	shalt  }
0x83: {  	_ =	shalt  }
0x84: {  	_ =	shalt  }
0x85: {  	_ =	shalt  }
0x86: {  	_ =	shalt  }
0x87: {  	_ =	shalt  }
.Lfunc_end0:
.L_simem_size_0:
called_computation_lowered:
.L_overlay_start_0:
0x88: {  	s2 =	sld [smem:$0x3FD9]  }
0x89: {  	s3 =	sld [smem:$0x3FFE];
	_ =	sdelay $0x1  }
0x8a: {  	s1 =	srdreg.scid  }
0x8b: {  	s0 =	sand.u32 $0x1, s1  }
0x8c: {  	s14 =	sshll.u32 s0, $0xA;
	s2 =	sadd.s32 s3, s2  }
0x8d: {  	s2 =	sadd.s32 s2, s14  }
0x8e: {  	[smem:$0x3FC0] =	sst s2  }
0x8f: {  	_ = 	snop  }
0x90: {  	s2 =	sld [smem:$0x3FD0];
	_ =	sdelay $0x2  }
0x91: {  	s15 =	simm.s32 $0xA;
	s4 =	simm.s32 $0x10  }
0x92: {  	[smem:s4], [sflag:s15] =	dma.local [hbm:s2], $0x1  }
0x93: {  	_ =	swait.eq [sflag:s15], $0x1  }
0x94: {  	[sflag:s15] =	ssyncset.done $0x0  }
0x95: {  	s16 =	sld [smem:$0x10];
	[sflag:s15] =	ssyncadd.s32 $0xFFFFFFFF  }
0x96: {  	s17 =	sld [smem:$0x11];
	(tm) =	ssettm $0x1  }
0x97: {  	s18 =	sld [smem:$0x3FFB];
	_ =	sdelay $0x3  }
0x98: {  	_ =	strace s18  }
0x99: {  	s4 =	sld [smem:$0x3FFC];
	_ =	sdelay $0x3  }
0x9a: {  	_ =	strace s4  }
0x9b: {  	s4 =	sld [smem:$0x3FFD];
	_ =	sdelay $0x3  }
0x9c: {  	_ =	strace s4  }
0x9d: {  	_ =	strace $0x8FFFFFFF  }
0x9e: {  	s19 =	sld [smem:$0x3FDB];
	_ =	sdelay $0x1  }
0x9f: {  	s5 =	simm.s32 $_scs_section_size  }
0xa0: {  	s6 =	simm.s32 $_size__tile_overlayer_lowered;
	s7 =	simm.s32 $_tile_overlayer_lowered  }
0xa1: {  	s22 =	simm.s32 $0x1BFF;
	s21 =	sshll.u32 s7, $0x1;
	s4 =	sadd.s32 s5, s19  }
0xa2: {  	s8 =	simm.s32 $0x0;
	s20 =	sshll.u32 s6, $0x1;
	s6 =	sadd.s32 s21, s4  }
0xa3: {  	[timem:s8], [sflag:s22] =	dma.local [hbm:s6], s20  }
0xa4: {  	_ =	swait.ge [sflag:s22], s20  }
0xa5: {  	s5 =	ssub.s32 $0x0, s20;
	[sflag:s22] =	ssyncset.done $0x0  }
0xa6: {  	[sflag:s22] =	ssyncadd.s32 s5;
	_ =	sdelay $0x1  }
0xa7: {  	s23 =	simm.s32 $0x1B8B  }
0xa8: {  	_ =	swait.ge [sflag:s23], $0x1  }
0xa9: {  	[sflag:s23] =	ssyncset.done $0x0  }
0xaa: {  	s25 =	simm.s32 $0x1B8E;
	s24 =	sld [smem:$0x3FFE];
	[sflag:s23] =	ssyncadd.s32 $0xFFFFFFFF  }
0xab: {  	s26 =	simm.s32 $execute0_lowered;
	[smem:$0x3FD2] =	sst s25  }
0xac: {  	s6 =	sshll.u32 s26, $0x1;
	_ =	strace $0x80000046;
	[dreg:$0x1] =	wrdreg $0xFFFFFFFF  }
0xad: {  	s28 =	simm.s32 $_size_execute0_lowered;
	s4 =	sadd.s32 s4, s6;
	[dreg:$0x0] =	wrdreg $0x0  }
0xae: {  	s6 =	sshll.u32 s28, $0x1;
	[dreg:$0x2] =	wrdreg s4  }
0xaf: {  	[dreg:$0x3] =	wrdreg s6  }
0xb0: {  	[dreg:$0x4] =	wrdreg $0xC0  }
0xb1: {  	_ =	task [dreg:s8], $0x5FFFF  }
0xb2: {  	[dreg:$0x1] =	wrdreg $0xFFFFFFFF  }
0xb3: {  	[dreg:$0x0] =	wrdreg $0x60  }
0xb4: {  	[dreg:$0x2] =	wrdreg s17  }
0xb5: {  	[dreg:$0x3] =	wrdreg s24  }
0xb6: {  	[dreg:$0x4] =	wrdreg s16  }
0xb7: {  	[dreg:$0x5] =	wrdreg $0x30000  }
0xb8: {  	[dreg:$0x6] =	wrdreg $0x9  }
0xb9: {  	_ =	task.clear_ibuf [dreg:s8], $0x7FFFF;
	_ =	strace $0x90000046  }
0xba: {  	s29 =	simm.s32 $0x9;
	_ =	strace $0x80000048  }
0xbb: {  	_ =	swait.ge [sflag:s29], $0x1  }
0xbc: {  	[sflag:s29] =	ssyncadd.s32 $0xFFFFFFFF  }
0xbd: {  	_ =	strace $0x90000048  }
0xbe: {  	_ =	sfence  }
0xbf: {  	s30 =	sld [smem:$0x0];
	_ =	sdelay $0x2  }
0xc0: {  	s31 =	sshll.u32 s1, $0xD;
	s1 =	sshrl.u32 s1, $0x2  }
0xc1: {  	s3 =	sand.u32 $0x4000, s31;
	s1 =	sadd.s32 s1, s30  }
0xc2: {  	s0 =	sor.u32 s3, s0;
	s1 =	sshll.u32 s1, $0x11  }
0xc3: {  	s0 =	sor.u32 s1, s0  }
0xc4: {  	s0 =	sadd.s32 $0x8F2B, s0  }
0xc5: {  	[sflag:s0] =	ssyncadd.remote.s32 $0x1  }
0xc6: {  	_ =	sfence.sel $0xFFFF  }
0xc7: {  	[dreg:$0x0] =	wrdreg $0xFFFFFFFF;
	(pc) =	sbr.abs _section_cstart, $3  }
0xc8: {  	[dreg:$0x1] =	wrdreg $0xFFFFFFFF  }
0xc9: {  	_ =	task.clear_ibuf [dreg:s8], $0x2FFFF;
	_ =	strace $0x9FFFFFFF  }
0xca: {  	(tm) =	ssettm $0x7FFFFFFF  }
0xcb: {  	_ =	shalt  }
tec
execute0_lowered:
.L_overlay_start_1:
0x0: {  	(tag) =	ssettag $0x1  }
0x1: {  	s7 =	rddreg [dreg:$0x0]  }
0x2: {  	s4 =	rddreg [dreg:$0x1]  }
0x3: {  	s8 =	rddreg [dreg:$0x2]  }
0x4: {  	s2 =	rddreg [dreg:$0x3]  }
0x5: {  	s1 =	stileid.u32;
	s0 =	rddreg [dreg:$0x4];
	s3 =	simm.s32 $0x0  }
0x6: {  	s6 =	srdreg.scid;
	s15 =	simm.s32 $0x0;
	s5 =	smul.u32 $0x2800, s1  }
0x7: {  	[smem:$0x7FF] =	sst s3;
	s6 =	sand.u32 $0x1, s6;
	s13 =	sshll.u32 s1, $0x6  }
0x8: {  	_ =	strace $0x80000047;
	s10 =	ssub.s32 $0x2, s6;
	s12 =	sshll.u32 s6, $0x4  }
0x9: {  	s6 =	smul.u32 $0x28000, s6;
	s9 =	sshrl.u32 s5, $0x3;
	s11 =	sshrl.u32 s10, $0x1  }
0xa: {  	s30 =	sadd.s32 s5, s2;
	s12 =	sor.u32 s1, s12;
	s9 =	sadd.s32 s9, s4  }
0xb: {  	s4 =	sadd.s32 $0x7200, s4;
	s10 =	ssub.s32 s10, s11;
	s12 =	smul.u32 $0x500, s12  }
0xc: {  	s14 =	sadd.s32 s5, s6;
	s6 =	sor.u32 $0x1C02, s13;
	s11 =	simm.s32 $0x2  }
0xd: {  	s13 =	simm.s32 $0x80;
	s5 =	sadd.s32 $0x2200, s9;
	s31 =	sshrl.u32 s14, $0x3  }
0xe: {  	s9 =	smax.u32 s10, $0x1;
	s10 =	sshrl.u32 s30, $0x3;
	s14 =	simm.s32 $0x1  }
0xf: {  	s7 =	sadd.s32 s7, s12;
	s8 =	sadd.s32 s8, s31;
	s12 =	simm.s32 $0x2800  }
.LBB2_1:
0x10: {  	[spmem:s10], [sflag:s6] =	dma.local [hbm:s5], $0x500  }
0x11: {  	_ =	swait.ge [sflag:s11], $0x500  }
0x12: {  	[sflag:s11] =	ssyncset.done $0x0  }
0x13: {  	[sflag:s11] =	ssyncadd.s32 $0xFFFFFB00  }
0x14: {  	[tilespmem:s12], [sflag:$0x2] =	stream.linear.gather [hbm4b:s4+s3], $0x800, $0x38;
	[tilespmem:$0x5800] =	vst v63  }
0x15: {  	_ =	swait.ge [sflag:s11], $0x800  }
0x16: {  	[sflag:s11] =	ssyncset.done $0x0  }
0x17: {  	[sflag:s11] =	ssyncadd.s32 $0xFFFFF800  }
0x18: {  	[tilespmem:s3], [sflag:$0x2] =	stream.linear.gather [hbm4b:s7+s3], $0x2800, $0x38;
	[tilespmem:$0x5800] =	vst v63  }
0x19: {  	_ =	swait.ge [sflag:s11], $0x2800  }
0x1a: {  	[sflag:s11] =	ssyncset.done $0x0  }
0x1b: {  	[sflag:s11] =	ssyncadd.s32 $0xFFFFD800  }
0x1c: {  	s16 =	simm.s32 $0x0;
	[bflag:$0x0] =	sbarrier.arrive $0xFFFF  }
.LBB2_2:
0x1d: {  	p0 =	sne.s32 s16, $0x9E00  }
.Ltmp0:
0x1e: {  	_ = 	snop;
	(pc) =	sbr.rel @p0 .LBB2_2-.Ltmp0, $3  }
0x1f: {  	_ =	sdelay $0x1  }
0x20: {  	s17 =	sshra.s32 s16, $0x2;
	s16 =	sadd.s32 $0x200, s16  }
0x21: {  	[spmem:s2] =	stream.indirect.scatter.add.f32 [tilespmem:s12], [sflag:$0x1], $0x10, s17, s13, $0xb8;
	[tilespmem:$0x5800] =	vst v63  }
0x22: {  	_ =	swait.ge [sflag:s14], $0x800  }
0x23: {  	s16 =	simm.s32 $0x4F;
	[sflag:s14] =	ssyncset.done $0x0  }
.LBB2_4:
0x24: {  	p0 =	sne.s32 s16, $0x1;
	s16 =	sadd.s32 $0xFFFFFFFF, s16;
	[sflag:s14] =	ssyncadd.s32 $0xFFFFF800  }
.Ltmp1:
0x25: {  	(pc) =	sbr.rel @p0 .LBB2_4-.Ltmp1, $3  }
0x26: {  	_ =	sdelay $0x1  }
0x27: {  	_ =	swait.ge [sflag:s14], $0x800  }
0x28: {  	[sflag:s14] =	ssyncset.done $0x0  }
0x29: {  	s15 =	sadd.s32 $0x1, s15  }
0x2a: {  	[sflag:s14] =	ssyncadd.s32 $0xFFFFF800;
	p0 =	sne.s32 s15, s9  }
.Ltmp2:
0x2b: {  	[bflag:$0x0] =	sbarrier.arrive $0xFFFF;
	(pc) =	sbr.rel @p0 .LBB2_1-.Ltmp2, $4  }
0x2c: {  	[hbm:s8], [sflag:s6] =	dma.local [spmem:s10], $0x500  }
0x2d: {  	_ =	swait.ge [sflag:s11], $0x500  }
0x2e: {  	[sflag:s11] =	ssyncset.done $0x0  }
0x2f: {  	[sflag:s11] =	ssyncadd.s32 $0xFFFFFB00  }
0x30: {  	_ =	sfence.sel $0x180000  }
0x31: {  	[bflag:$0x0] =	sbarrier.arrive $0xFFFF  }
0x32: {  	p0 =	sne.s32 s1, $0x0;
	_ =	strace $0x90000047  }
0x33: {  	s0 =	sadd.s32 @!p0 $0x100000, s0;
	[bflag:$0x2] =	sbarrier.arrive $0xFFFF  }
0x34: {  	[sflag:s0] =	ssyncadd.tile.s32 @!p0 $0x1;
	_ =	shalt  }
.Lfunc_end2:
_tile_overlayer_lowered:
.L_overlay_start_2:
0x35: {  	(tag) =	ssettag $0x2  }
0x36: {  	s0 =	rddreg [dreg:$0x0];
	s2 =	stileid.u32  }
0x37: {  	s1 =	rddreg [dreg:$0x1];
	p0 =	sne.s32 s2, $0x0  }
0x38: {  	s3 =	rddreg [dreg:$0x2];
	[bflag:$0x3] =	sbarrier.arrive $0xFFFF;
	s2 =	simm.s32 @!p0 $0x1C02  }
0x39: {  	[timem:s3], [sflag:s2] =	dma.local @!p0 [hbm:s0], s1  }
0x3a: {  	s0 =	simm.s32 @!p0 $0x2  }
0x3b: {  	_ =	swait.ge @!p0 [sflag:s0], s1  }
0x3c: {  	s1 =	ssub.s32 @!p0 $0x0, s1;
	[sflag:s0] =	ssyncset.done @!p0 $0x0  }
0x3d: {  	[sflag:s0] =	ssyncadd.s32 @!p0 s1  }
0x3e: {  	[bflag:$0x3] =	sbarrier.arrive $0xFFFF  }
0x3f: {  	_ =	shalt  }

</sc_bundles>
